<compile_context>
chip_gen: v7x
topology: tpu7x:2x2x1
jax: 0.10.2.dev20260603
libtpu: 0.0.44.dev20260713+nightly
codegen_flags: <defaults>
</compile_context>

<pallas_src>
import functools

import jax
import jax.numpy as jnp
from jax import lax
from jax.experimental import pallas as pl
from jax.experimental.pallas import tpu as pltpu
from jax.experimental.pallas import tpu_sc as plsc

_NUM_CLASSES = 21
_TOP_K = 200
_PRE_NMS = 500
_CONF_THRESH = 0.05
_IOU_THRESH = 0.5
_VAR0, _VAR1 = 0.1, 0.2
_CLIP_W = _CLIP_H = 1.0
_PRE_PAD = 512
_K_PAD = 256
_NEG = -1e30

_L = 16
_NW = 32
_ROWS = 192
_ROWS_PER_W = _ROWS // _NW
_A_PAD = 20480
_NCH = _A_PAD // _L
_HI0 = 0x7F800000


def _cut_kernel(keys_hbm, out_hbm, row_v, red_v, out_v):
    wid = lax.axis_index("s") * 2 + lax.axis_index("c")

    def lane_total(cnt):
        red_v[pl.ds(0, _L)] = cnt
        red_v[pl.ds(_L, _L)] = cnt

        def rot(k, acc):
            return acc + red_v[pl.ds(k, _L)]

        return lax.fori_loop(1, _L, rot, cnt)

    def count_gt(t):
        def chunk(j, acc):
            base = j * (_L * 16)
            for u in range(16):
                k = row_v[pl.ds(base + u * _L, _L)]
                acc = acc + jnp.where(k > t, 1.0, 0.0)
            return acc

        cnt = lax.fori_loop(0, _NCH // 16, chunk,
                            jnp.zeros((_L,), jnp.float32))
        return lane_total(cnt)

    def do_row(p, _):
        row = wid * _ROWS_PER_W + p
        pltpu.sync_copy(keys_hbm.at[row], row_v)

        lo = jnp.full((_L,), -1, jnp.int32)
        hi = jnp.full((_L,), _HI0, jnp.int32)

        def bis(it, carry):
            lo, hi = carry
            mid = (lo + hi) >> 1
            tot = count_gt(mid)
            pred = tot < float(_PRE_NMS)
            hi = jnp.where(pred, mid, hi)
            lo = jnp.where(pred, lo, mid)
            return lo, hi

        lo, hi = lax.fori_loop(0, 31, bis, (lo, hi))
        kcut = hi
        cgt = count_gt(kcut)

        out_v[pl.ds(0, _L)] = lax.bitcast_convert_type(kcut, jnp.float32)
        out_v[pl.ds(_L, _L)] = cgt
        pltpu.sync_copy(out_v, out_hbm.at[row])
        return 0

    lax.fori_loop(0, _ROWS_PER_W, do_row, 0)


@jax.jit
def _sc_cutoff(keys2d):
    mesh = plsc.VectorSubcoreMesh(core_axis_name="c", subcore_axis_name="s")
    fn = pl.kernel(
        _cut_kernel,
        mesh=mesh,
        out_type=[jax.ShapeDtypeStruct((_ROWS, 2 * _L), jnp.float32)],
        scratch_types=[
            pltpu.VMEM((_A_PAD,), jnp.int32),
            pltpu.VMEM((2 * _L,), jnp.float32),
            pltpu.VMEM((2 * _L,), jnp.float32),
        ],
    )
    return fn(keys2d)[0]


def _nms_kernel(cs_ref, cb_ref, outs_ref, outb_ref, ws_ref):
    n, m = cs_ref.shape
    outs_ref[...] = jnp.zeros_like(outs_ref)
    outb_ref[...] = jnp.zeros_like(outb_ref)
    ws_ref[...] = cs_ref[...]
    x1 = cb_ref[0]
    y1 = cb_ref[1]
    x2 = cb_ref[2]
    y2 = cb_ref[3]
    area = jnp.maximum(x2 - x1, 0.0) * jnp.maximum(y2 - y1, 0.0)
    iota = jax.lax.broadcasted_iota(jnp.int32, (n, m), 1)

    def body(r, carry):
        ws = ws_ref[...]
        best = jnp.max(ws, axis=1, keepdims=True)
        eq = ws == best
        pos = jnp.min(jnp.where(eq, iota, m), axis=1, keepdims=True)
        chosen = iota == pos
        chf = chosen.astype(jnp.float32)
        bx1 = jnp.sum(x1 * chf, axis=1, keepdims=True)
        by1 = jnp.sum(y1 * chf, axis=1, keepdims=True)
        bx2 = jnp.sum(x2 * chf, axis=1, keepdims=True)
        by2 = jnp.sum(y2 * chf, axis=1, keepdims=True)
        barea = jnp.sum(area * chf, axis=1, keepdims=True)
        valid = best > _CONF_THRESH
        tile = pl.multiple_of((r // 128) * 128, 128)
        off = r - tile
        wmask = jax.lax.broadcasted_iota(jnp.int32, (1, 128), 1) == off
        for ref_slice, val in (
            (outs_ref.at[:, pl.ds(tile, 128)], jnp.where(valid, best, 0.0)),
            (outb_ref.at[0, :, pl.ds(tile, 128)], jnp.where(valid, bx1, 0.0)),
            (outb_ref.at[1, :, pl.ds(tile, 128)], jnp.where(valid, by1, 0.0)),
            (outb_ref.at[2, :, pl.ds(tile, 128)], jnp.where(valid, bx2, 0.0)),
            (outb_ref.at[3, :, pl.ds(tile, 128)], jnp.where(valid, by2, 0.0)),
        ):
            ref_slice[...] = jnp.where(wmask, val, ref_slice[...])
        ltx = jnp.maximum(x1, bx1)
        lty = jnp.maximum(y1, by1)
        rbx = jnp.minimum(x2, bx2)
        rby = jnp.minimum(y2, by2)
        iw = jnp.maximum(rbx - ltx, 0.0)
        ih = jnp.maximum(rby - lty, 0.0)
        inter = iw * ih
        union = area + barea - inter
        iou = inter / jnp.maximum(union, 1e-9)
        kill = chosen | ((iou > _IOU_THRESH) & valid)
        ws_ref[...] = jnp.where(kill, _NEG, ws)
        return carry

    jax.lax.fori_loop(0, _TOP_K, body, 0)


def _run_nms(cs, cb):
    n = cs.shape[0]
    outs, outb = pl.pallas_call(
        _nms_kernel,
        out_shape=[
            jax.ShapeDtypeStruct((n, _K_PAD), jnp.float32),
            jax.ShapeDtypeStruct((4, n, _K_PAD), jnp.float32),
        ],
        scratch_shapes=[pltpu.VMEM((n, _PRE_PAD), jnp.float32)],
    )(cs, cb)
    return outs, outb


def _decode_clip(loc_delta, anchors):
    anch = anchors[None, :, :]
    cxcy = anch[..., :2] + loc_delta[..., :2] * _VAR0 * anch[..., 2:]
    wh = anch[..., 2:] * jnp.exp(loc_delta[..., 2:] * _VAR1)
    boxes = jnp.concatenate([cxcy - wh / 2.0, cxcy + wh / 2.0], axis=-1)
    x = jnp.clip(boxes[..., 0::2], 0.0, _CLIP_W)
    y = jnp.clip(boxes[..., 1::2], 0.0, _CLIP_H)
    return jnp.stack([x[..., 0], y[..., 0], x[..., 1], y[..., 1]], axis=-1)


def kernel(conf_preds, loc_delta, anchors):
    nb, na, nc = conf_preds.shape
    decoded = _decode_clip(loc_delta, anchors)
    conf_t = conf_preds.transpose(0, 2, 1)
    w = decoded[..., 2] - decoded[..., 0]
    h = decoded[..., 3] - decoded[..., 1]
    validb = (w >= 0.0) & (h >= 0.0)
    scores = jnp.maximum(jnp.where(validb[:, None, :], conf_t, 0.0), 0.0)

    n = nb * nc
    s = scores.reshape(n, na)
    keys = lax.bitcast_convert_type(s, jnp.int32)
    k2 = jnp.zeros((_ROWS, _A_PAD), jnp.int32)
    k2 = k2.at[:n, :na].set(keys)
    cut = _sc_cutoff(k2)
    kcut = lax.bitcast_convert_type(cut[:n, 0], jnp.int32)
    cgt = cut[:n, _L].astype(jnp.int32)
    m2 = _PRE_NMS - cgt

    gt = keys > kcut[:, None]
    eq = keys == kcut[:, None]
    packed = jnp.where(gt, 1, 0) + jnp.where(eq, 1 << 15, 0)
    cpk = jnp.cumsum(packed, axis=1)
    gt_pref = cpk & 0x7FFF
    eq_pref = cpk >> 15
    c_incl = gt_pref + jnp.minimum(eq_pref, m2[:, None])

    jq = jax.lax.broadcasted_iota(jnp.int32, (n, _PRE_PAD), 1) + 1
    lo = jnp.full((n, _PRE_PAD), -1, jnp.int32)
    hi = jnp.full((n, _PRE_PAD), na, jnp.int32)
    for _ in range(15):
        mid = (lo + hi) >> 1
        v = jnp.take_along_axis(c_incl, jnp.clip(mid, 0, na - 1), axis=1)
        pred = (v >= jq) & (mid >= 0)
        hi = jnp.where(pred, mid, hi)
        lo = jnp.where(pred, lo, mid)
    slot_ok = jq <= _PRE_NMS
    src = jnp.where(slot_ok, jnp.minimum(hi, na - 1), 0)
    cs = jnp.where(slot_ok, jnp.take_along_axis(s, src, axis=1), 0.0)
    idx = src.reshape(nb, nc, _PRE_PAD)

    cb = jnp.take_along_axis(decoded[:, None, :, :], idx[..., None], axis=2)
    cb_soa = cb.reshape(n, _PRE_PAD, 4).transpose(2, 0, 1)

    outs, outb = _run_nms(cs, cb_soa)

    out_s = outs[:, :_TOP_K].reshape(nb, nc, _TOP_K, 1)
    out_b = outb[:, :, :_TOP_K].transpose(1, 2, 0).reshape(nb, nc, _TOP_K, 4)
    return jnp.concatenate([out_s, out_b], axis=-1)

# --- scband reference (transcript-rebuilt; emitter-appended) ---
"""Pipeline reference for scband-detect-87917980549461 (READ-ONLY COPY).

The authoritative reference and input builder live on the scoring server;
editing this copy changes nothing except your own understanding.
"""

import jax, jax.numpy as jnp
import numpy as np

TOP_K = 200
NUM_CLASSES = 21
CONF_THRESH = 0.05
IOU_THRESH = 0.5
VAR0, VAR1 = 0.1, 0.2
CLIP_H, CLIP_W = 1.0, 1.0  # cfg['min_dim']/img_size = 320/320
MIN_SIZE = 0.0
PRE_NMS = 500
B, A = 8, 20000

def setup_inputs(seed: int = 0) -> dict:
    key = jax.random.key(seed)
    k1, k2, k3 = jax.random.split(key, 3)
    conf_preds = jax.random.uniform(k1, (B, A, NUM_CLASSES), dtype=jnp.float32)
    loc_delta = jax.random.normal(k2, (B, A, 4), dtype=jnp.float32)
    anchors = jax.random.uniform(k3, (A, 4), dtype=jnp.float32)  # cxcywh in [0,1)
    return {"conf_preds": conf_preds, "loc_delta": loc_delta, "anchors": anchors}

def decode(loc, anchors):
    cxcy = anchors[..., :2] + loc[..., :2] * VAR0 * anchors[..., 2:]
    wh = anchors[..., 2:] * jnp.exp(loc[..., 2:] * VAR1)
    return jnp.concatenate([cxcy - wh / 2.0, cxcy + wh / 2.0], axis=-1)

def clip_boxes(boxes):
    x = jnp.clip(boxes[..., 0::2], 0.0, CLIP_W)
    y = jnp.clip(boxes[..., 1::2], 0.0, CLIP_H)
    return jnp.stack([x[..., 0], y[..., 0], x[..., 1], y[..., 1]], axis=-1)

def pairwise_iou(b):
    area = jnp.maximum(b[:, 2] - b[:, 0], 0.0) * jnp.maximum(b[:, 3] - b[:, 1], 0.0)
    lt = jnp.maximum(b[:, None, :2], b[None, :, :2])
    rb = jnp.minimum(b[:, None, 2:], b[None, :, 2:])
    wh = jnp.maximum(rb - lt, 0.0)
    inter = wh[..., 0] * wh[..., 1]
    union = area[:, None] + area[None, :] - inter
    return inter / jnp.maximum(union, 1e-9)

def nms_class(scores, boxes):
    # scores: [A], boxes: [A,4]. Pre-NMS top-k then greedy NMS, keep TOP_K.
    vals, idx = jax.lax.top_k(scores, PRE_NMS)
    cb = boxes[idx]
    keep0 = vals > CONF_THRESH
    iou = jax.lax.stop_gradient(pairwise_iou(cb))
    ar = jnp.arange(PRE_NMS)
    def body(i, keep):
        suppress = (iou[i] > IOU_THRESH) & (ar > i) & keep[i]
        return keep & (~suppress)
    keep = jax.lax.fori_loop(0, PRE_NMS, body, keep0)
    masked = jnp.where(keep, vals, -1.0)
    mv, sel = jax.lax.top_k(masked, TOP_K)
    valid = mv > CONF_THRESH
    out_s = jnp.where(valid, vals[sel], 0.0)
    out_b = jnp.where(valid[:, None], cb[sel], 0.0)
    return jnp.concatenate([out_s[:, None], out_b], axis=1)  # [TOP_K, 5]

def detect_one(conf_ca, decoded):
    # conf_ca: [C, A], decoded: [A, 4]
    w = decoded[:, 2] - decoded[:, 0]
    h = decoded[:, 3] - decoded[:, 1]
    valid_box = (w >= MIN_SIZE) & (h >= MIN_SIZE)  # remove_small_boxes
    conf_m = jnp.where(valid_box[None, :], conf_ca, -jnp.inf)
    return jax.vmap(lambda s: nms_class(s, decoded))(conf_m)  # [C, TOP_K, 5]

def reference(conf_preds, loc_delta, anchors):
    nb = conf_preds.shape[0]
    na = anchors.shape[0]
    conf = conf_preds.reshape(nb, na, NUM_CLASSES).transpose(0, 2, 1)  # [B, C, A]
    decoded = clip_boxes(decode(loc_delta, anchors[None, :, :]))  # [B, A, 4]
    preds = jax.vmap(detect_one)(conf, decoded)  # [B, C, TOP_K, 5]
    return preds

if __name__ == "__main__":
    import jax
    _d = setup_inputs()
    print(jax.jit(kernel)(*tuple(_d.values())))

</pallas_src>

<mosaic_0001>
#map = affine_map<(d0, d1) -> (0, 0)>
module attributes {stable_mosaic.version = 14 : i64} {
  func.func @_cut_kernel(%arg0: i32, %arg1: i32, %arg2: memref<192x20480xi32, #tpu.memory_space<hbm>>, %arg3: memref<192x32xf32, #tpu.memory_space<hbm>>, %arg4: memref<20480xi32, #tpu.memory_space<vmem>>, %arg5: memref<32xf32, #tpu.memory_space<vmem>>, %arg6: memref<32xf32, #tpu.memory_space<vmem>>) attributes {dimension_semantics = [#tpu.dimension_semantics<core_parallel>, #tpu.dimension_semantics<subcore_parallel>], iteration_bounds = array<i64: 2, 16>, scalar_prefetch = 0 : i64, scratch_operands = 3 : i64, tpu.core_type = #tpu.core_type<sc_vector_subcore>, window_params = [{transform_indices = #map}, {transform_indices = #map}]} {
    %mul3A = arith.constant 2 : i32
    %mul3A_0 = arith.muli %arg1, %mul3A : i32
    %add3A = arith.addi %mul3A_0, %arg0 : i32
    %scan3A = arith.constant 0 : i32
    %scan3A_1 = arith.constant 0 : i32
    %scan3A_2 = arith.constant 6 : i32
    %scan3A_3 = arith.addi %scan3A_1, %scan3A_2 : i32
    %scan3A_4 = arith.constant 1 : i32
    %scan3A_5 = scf.for %scan3A_7 = %scan3A_1 to %scan3A_3 step %scan3A_4 iter_args(%scan3A_8 = %scan3A) -> (i32)  : i32 {
      %mul3A_9 = arith.constant 6 : i32
      %mul3A_10 = arith.muli %add3A, %mul3A_9 : i32
      %add3A_11 = arith.addi %mul3A_10, %scan3A_7 : i32
      "tpu.region"() ({
        %run_scoped3A = tpu.sem_alloc : memref<!tpu.dma_semaphore, #tpu.memory_space<semaphore_mem>>
        %dma_start3A = arith.constant 0 : i32
        %dma_start3A_51 = tpu.memref_slice %arg2[%add3A_11, %dma_start3A] : memref<192x20480xi32, #tpu.memory_space<hbm>> -> memref<1x20480xi32, #tpu.memory_space<hbm>>
        %dma_start3A_52 = tpu.memref_squeeze %dma_start3A_51 : memref<1x20480xi32, #tpu.memory_space<hbm>> -> memref<20480xi32, #tpu.memory_space<hbm>>
        %dma_start3A_53 = arith.constant 0 : i32
        %dma_start3A_54 = tpu.memref_slice %arg2[%add3A_11, %dma_start3A_53] : memref<192x20480xi32, #tpu.memory_space<hbm>> -> memref<1x20480xi32, #tpu.memory_space<hbm>>
        %dma_start3A_55 = tpu.memref_squeeze %dma_start3A_54 : memref<1x20480xi32, #tpu.memory_space<hbm>> -> memref<20480xi32, #tpu.memory_space<hbm>>
        tpu.enqueue_dma source(%dma_start3A_55 : memref<20480xi32, #tpu.memory_space<hbm>>) target(%arg4 : memref<20480xi32, #tpu.memory_space<vmem>>) target_semaphore(%run_scoped3A : memref<!tpu.dma_semaphore, #tpu.memory_space<semaphore_mem>>)
        %dma_wait3A = arith.constant 0 : i32
        %dma_wait3A_56 = tpu.memref_slice %arg2[%add3A_11, %dma_wait3A] : memref<192x20480xi32, #tpu.memory_space<hbm>> -> memref<1x20480xi32, #tpu.memory_space<hbm>>
        %dma_wait3A_57 = tpu.memref_squeeze %dma_wait3A_56 : memref<1x20480xi32, #tpu.memory_space<hbm>> -> memref<20480xi32, #tpu.memory_space<hbm>>
        %dma_wait3A_58 = arith.constant 0 : i32
        %dma_wait3A_59 = tpu.memref_slice %arg2[%add3A_11, %dma_wait3A_58] : memref<192x20480xi32, #tpu.memory_space<hbm>> -> memref<1x20480xi32, #tpu.memory_space<hbm>>
        %dma_wait3A_60 = tpu.memref_squeeze %dma_wait3A_59 : memref<1x20480xi32, #tpu.memory_space<hbm>> -> memref<20480xi32, #tpu.memory_space<hbm>>
        tpu.wait_dma2 semaphore(%run_scoped3A : memref<!tpu.dma_semaphore, #tpu.memory_space<semaphore_mem>>) src(%dma_wait3A_60 : memref<20480xi32, #tpu.memory_space<hbm>>) dst(%arg4 : memref<20480xi32, #tpu.memory_space<vmem>>)
        tpu.yield
      }) : () -> ()
      %broadcast_in_dim3A = arith.constant -1 : i32
      %broadcast_in_dim3A_12 = vector.broadcast %broadcast_in_dim3A : i32 to vector<16xi32>
      %broadcast_in_dim3A_13 = arith.constant 2139095040 : i32
      %broadcast_in_dim3A_14 = vector.broadcast %broadcast_in_dim3A_13 : i32 to vector<16xi32>
      %scan3A_15 = arith.constant 0 : i32
      %scan3A_16 = arith.constant 31 : i32
      %scan3A_17 = arith.addi %scan3A_15, %scan3A_16 : i32
      %scan3A_18 = arith.constant 1 : i32
      %scan3A_19:2 = scf.for %scan3A_51 = %scan3A_15 to %scan3A_17 step %scan3A_18 iter_args(%scan3A_52 = %broadcast_in_dim3A_12, %scan3A_53 = %broadcast_in_dim3A_14) -> (vector<16xi32>, vector<16xi32>)  : i32 {
        %add3A_54 = arith.addi %scan3A_52, %scan3A_53 : vector<16xi32>
        %shift_right_arithmetic3A = arith.constant 1 : i32
        %shift_right_arithmetic3A_55 = vector.broadcast %shift_right_arithmetic3A : i32 to vector<16xi32>
        %shift_right_arithmetic3A_56 = arith.shrsi %add3A_54, %shift_right_arithmetic3A_55 : vector<16xi32>
        %broadcast_in_dim3A_57 = arith.constant 0.000000e+00 : f32
        %broadcast_in_dim3A_58 = vector.broadcast %broadcast_in_dim3A_57 : f32 to vector<16xf32>
        %scan3A_59 = arith.constant 0 : i32
        %scan3A_60 = arith.constant 80 : i32
        %scan3A_61 = arith.addi %scan3A_59, %scan3A_60 : i32
        %scan3A_62 = arith.constant 1 : i32
        %scan3A_63 = scf.for %scan3A_82 = %scan3A_59 to %scan3A_61 step %scan3A_62 iter_args(%scan3A_83 = %broadcast_in_dim3A_58) -> (vector<16xf32>)  : i32 {
          %mul3A_84 = arith.constant 256 : i32
          %mul3A_85 = arith.muli %scan3A_82, %mul3A_84 : i32
          %add3A_86 = arith.constant 0 : i32
          %add3A_87 = arith.addi %mul3A_85, %add3A_86 : i32
          %get3A = arith.index_cast %add3A_87 : i32 to index
          %get3A_88 = tpu.vector_load %arg4[%get3A] {strides = array<i32>} : memref<20480xi32, #tpu.memory_space<vmem>>, vector<16xi32>,
          %get3A_89 = vector.shape_cast %get3A_88 : vector<16xi32> to vector<16xi32>
          %gt3A = arith.cmpi sgt, %get3A_89, %shift_right_arithmetic3A_56 : vector<16xi32>
          %jit3A = arith.constant 1.000000e+00 : f32
          %jit3A_90 = arith.constant 0.000000e+00 : f32
          %broadcast_in_dim3A_91 = vector.broadcast %jit3A : f32 to vector<16xf32>
          %broadcast_in_dim3A_92 = vector.broadcast %jit3A_90 : f32 to vector<16xf32>
          %select_n3A_93 = arith.select %gt3A, %broadcast_in_dim3A_91, %broadcast_in_dim3A_92 : vector<16xi1>, vector<16xf32>
          %add3A_94 = arith.addf %scan3A_83, %select_n3A_93 : vector<16xf32>
          %add3A_95 = arith.constant 16 : i32
          %add3A_96 = arith.addi %mul3A_85, %add3A_95 : i32
          %get3A_97 = arith.index_cast %add3A_96 : i32 to index
          %get3A_98 = tpu.vector_load %arg4[%get3A_97] {strides = array<i32>} : memref<20480xi32, #tpu.memory_space<vmem>>, vector<16xi32>,
          %get3A_99 = vector.shape_cast %get3A_98 : vector<16xi32> to vector<16xi32>
          %gt3A_100 = arith.cmpi sgt, %get3A_99, %shift_right_arithmetic3A_56 : vector<16xi32>
          %jit3A_101 = arith.constant 1.000000e+00 : f32
          %jit3A_102 = arith.constant 0.000000e+00 : f32
          %broadcast_in_dim3A_103 = vector.broadcast %jit3A_101 : f32 to vector<16xf32>
          %broadcast_in_dim3A_104 = vector.broadcast %jit3A_102 : f32 to vector<16xf32>
          %select_n3A_105 = arith.select %gt3A_100, %broadcast_in_dim3A_103, %broadcast_in_dim3A_104 : vector<16xi1>, vector<16xf32>
          %add3A_106 = arith.addf %add3A_94, %select_n3A_105 : vector<16xf32>
          %add3A_107 = arith.constant 32 : i32
          %add3A_108 = arith.addi %mul3A_85, %add3A_107 : i32
          %get3A_109 = arith.index_cast %add3A_108 : i32 to index
          %get3A_110 = tpu.vector_load %arg4[%get3A_109] {strides = array<i32>} : memref<20480xi32, #tpu.memory_space<vmem>>, vector<16xi32>,
          %get3A_111 = vector.shape_cast %get3A_110 : vector<16xi32> to vector<16xi32>
          %gt3A_112 = arith.cmpi sgt, %get3A_111, %shift_right_arithmetic3A_56 : vector<16xi32>
          %jit3A_113 = arith.constant 1.000000e+00 : f32
          %jit3A_114 = arith.constant 0.000000e+00 : f32
          %broadcast_in_dim3A_115 = vector.broadcast %jit3A_113 : f32 to vector<16xf32>
          %broadcast_in_dim3A_116 = vector.broadcast %jit3A_114 : f32 to vector<16xf32>
          %select_n3A_117 = arith.select %gt3A_112, %broadcast_in_dim3A_115, %broadcast_in_dim3A_116 : vector<16xi1>, vector<16xf32>
          %add3A_118 = arith.addf %add3A_106, %select_n3A_117 : vector<16xf32>
          %add3A_119 = arith.constant 48 : i32
          %add3A_120 = arith.addi %mul3A_85, %add3A_119 : i32
          %get3A_121 = arith.index_cast %add3A_120 : i32 to index
          %get3A_122 = tpu.vector_load %arg4[%get3A_121] {strides = array<i32>} : memref<20480xi32, #tpu.memory_space<vmem>>, vector<16xi32>,
          %get3A_123 = vector.shape_cast %get3A_122 : vector<16xi32> to vector<16xi32>
          %gt3A_124 = arith.cmpi sgt, %get3A_123, %shift_right_arithmetic3A_56 : vector<16xi32>
          %jit3A_125 = arith.constant 1.000000e+00 : f32
          %jit3A_126 = arith.constant 0.000000e+00 : f32
          %broadcast_in_dim3A_127 = vector.broadcast %jit3A_125 : f32 to vector<16xf32>
          %broadcast_in_dim3A_128 = vector.broadcast %jit3A_126 : f32 to vector<16xf32>
          %select_n3A_129 = arith.select %gt3A_124, %broadcast_in_dim3A_127, %broadcast_in_dim3A_128 : vector<16xi1>, vector<16xf32>
          %add3A_130 = arith.addf %add3A_118, %select_n3A_129 : vector<16xf32>
          %add3A_131 = arith.constant 64 : i32
          %add3A_132 = arith.addi %mul3A_85, %add3A_131 : i32
          %get3A_133 = arith.index_cast %add3A_132 : i32 to index
          %get3A_134 = tpu.vector_load %arg4[%get3A_133] {strides = array<i32>} : memref<20480xi32, #tpu.memory_space<vmem>>, vector<16xi32>,
          %get3A_135 = vector.shape_cast %get3A_134 : vector<16xi32> to vector<16xi32>
          %gt3A_136 = arith.cmpi sgt, %get3A_135, %shift_right_arithmetic3A_56 : vector<16xi32>
          %jit3A_137 = arith.constant 1.000000e+00 : f32
          %jit3A_138 = arith.constant 0.000000e+00 : f32
          %broadcast_in_dim3A_139 = vector.broadcast %jit3A_137 : f32 to vector<16xf32>
          %broadcast_in_dim3A_140 = vector.broadcast %jit3A_138 : f32 to vector<16xf32>
          %select_n3A_141 = arith.select %gt3A_136, %broadcast_in_dim3A_139, %broadcast_in_dim3A_140 : vector<16xi1>, vector<16xf32>
          %add3A_142 = arith.addf %add3A_130, %select_n3A_141 : vector<16xf32>
          %add3A_143 = arith.constant 80 : i32
          %add3A_144 = arith.addi %mul3A_85, %add3A_143 : i32
          %get3A_145 = arith.index_cast %add3A_144 : i32 to index
          %get3A_146 = tpu.vector_load %arg4[%get3A_145] {strides = array<i32>} : memref<20480xi32, #tpu.memory_space<vmem>>, vector<16xi32>,
          %get3A_147 = vector.shape_cast %get3A_146 : vector<16xi32> to vector<16xi32>
          %gt3A_148 = arith.cmpi sgt, %get3A_147, %shift_right_arithmetic3A_56 : vector<16xi32>
          %jit3A_149 = arith.constant 1.000000e+00 : f32
          %jit3A_150 = arith.constant 0.000000e+00 : f32
          %broadcast_in_dim3A_151 = vector.broadcast %jit3A_149 : f32 to vector<16xf32>
          %broadcast_in_dim3A_152 = vector.broadcast %jit3A_150 : f32 to vector<16xf32>
          %select_n3A_153 = arith.select %gt3A_148, %broadcast_in_dim3A_151, %broadcast_in_dim3A_152 : vector<16xi1>, vector<16xf32>
          %add3A_154 = arith.addf %add3A_142, %select_n3A_153 : vector<16xf32>
          %add3A_155 = arith.constant 96 : i32
          %add3A_156 = arith.addi %mul3A_85, %add3A_155 : i32
          %get3A_157 = arith.index_cast %add3A_156 : i32 to index
          %get3A_158 = tpu.vector_load %arg4[%get3A_157] {strides = array<i32>} : memref<20480xi32, #tpu.memory_space<vmem>>, vector<16xi32>,
          %get3A_159 = vector.shape_cast %get3A_158 : vector<16xi32> to vector<16xi32>
          %gt3A_160 = arith.cmpi sgt, %get3A_159, %shift_right_arithmetic3A_56 : vector<16xi32>
          %jit3A_161 = arith.constant 1.000000e+00 : f32
          %jit3A_162 = arith.constant 0.000000e+00 : f32
          %broadcast_in_dim3A_163 = vector.broadcast %jit3A_161 : f32 to vector<16xf32>
          %broadcast_in_dim3A_164 = vector.broadcast %jit3A_162 : f32 to vector<16xf32>
          %select_n3A_165 = arith.select %gt3A_160, %broadcast_in_dim3A_163, %broadcast_in_dim3A_164 : vector<16xi1>, vector<16xf32>
          %add3A_166 = arith.addf %add3A_154, %select_n3A_165 : vector<16xf32>
          %add3A_167 = arith.constant 112 : i32
          %add3A_168 = arith.addi %mul3A_85, %add3A_167 : i32
          %get3A_169 = arith.index_cast %add3A_168 : i32 to index
          %get3A_170 = tpu.vector_load %arg4[%get3A_169] {strides = array<i32>} : memref<20480xi32, #tpu.memory_space<vmem>>, vector<16xi32>,
          %get3A_171 = vector.shape_cast %get3A_170 : vector<16xi32> to vector<16xi32>
          %gt3A_172 = arith.cmpi sgt, %get3A_171, %shift_right_arithmetic3A_56 : vector<16xi32>
          %jit3A_173 = arith.constant 1.000000e+00 : f32
          %jit3A_174 = arith.constant 0.000000e+00 : f32
          %broadcast_in_dim3A_175 = vector.broadcast %jit3A_173 : f32 to vector<16xf32>
          %broadcast_in_dim3A_176 = vector.broadcast %jit3A_174 : f32 to vector<16xf32>
          %select_n3A_177 = arith.select %gt3A_172, %broadcast_in_dim3A_175, %broadcast_in_dim3A_176 : vector<16xi1>, vector<16xf32>
          %add3A_178 = arith.addf %add3A_166, %select_n3A_177 : vector<16xf32>
          %add3A_179 = arith.constant 128 : i32
          %add3A_180 = arith.addi %mul3A_85, %add3A_179 : i32
          %get3A_181 = arith.index_cast %add3A_180 : i32 to index
          %get3A_182 = tpu.vector_load %arg4[%get3A_181] {strides = array<i32>} : memref<20480xi32, #tpu.memory_space<vmem>>, vector<16xi32>,
          %get3A_183 = vector.shape_cast %get3A_182 : vector<16xi32> to vector<16xi32>
          %gt3A_184 = arith.cmpi sgt, %get3A_183, %shift_right_arithmetic3A_56 : vector<16xi32>
          %jit3A_185 = arith.constant 1.000000e+00 : f32
          %jit3A_186 = arith.constant 0.000000e+00 : f32
          %broadcast_in_dim3A_187 = vector.broadcast %jit3A_185 : f32 to vector<16xf32>
          %broadcast_in_dim3A_188 = vector.broadcast %jit3A_186 : f32 to vector<16xf32>
          %select_n3A_189 = arith.select %gt3A_184, %broadcast_in_dim3A_187, %broadcast_in_dim3A_188 : vector<16xi1>, vector<16xf32>
          %add3A_190 = arith.addf %add3A_178, %select_n3A_189 : vector<16xf32>
          %add3A_191 = arith.constant 144 : i32
          %add3A_192 = arith.addi %mul3A_85, %add3A_191 : i32
          %get3A_193 = arith.index_cast %add3A_192 : i32 to index
          %get3A_194 = tpu.vector_load %arg4[%get3A_193] {strides = array<i32>} : memref<20480xi32, #tpu.memory_space<vmem>>, vector<16xi32>,
          %get3A_195 = vector.shape_cast %get3A_194 : vector<16xi32> to vector<16xi32>
          %gt3A_196 = arith.cmpi sgt, %get3A_195, %shift_right_arithmetic3A_56 : vector<16xi32>
          %jit3A_197 = arith.constant 1.000000e+00 : f32
          %jit3A_198 = arith.constant 0.000000e+00 : f32
          %broadcast_in_dim3A_199 = vector.broadcast %jit3A_197 : f32 to vector<16xf32>
          %broadcast_in_dim3A_200 = vector.broadcast %jit3A_198 : f32 to vector<16xf32>
          %select_n3A_201 = arith.select %gt3A_196, %broadcast_in_dim3A_199, %broadcast_in_dim3A_200 : vector<16xi1>, vector<16xf32>
          %add3A_202 = arith.addf %add3A_190, %select_n3A_201 : vector<16xf32>
          %add3A_203 = arith.constant 160 : i32
          %add3A_204 = arith.addi %mul3A_85, %add3A_203 : i32
          %get3A_205 = arith.index_cast %add3A_204 : i32 to index
          %get3A_206 = tpu.vector_load %arg4[%get3A_205] {strides = array<i32>} : memref<20480xi32, #tpu.memory_space<vmem>>, vector<16xi32>,
          %get3A_207 = vector.shape_cast %get3A_206 : vector<16xi32> to vector<16xi32>
          %gt3A_208 = arith.cmpi sgt, %get3A_207, %shift_right_arithmetic3A_56 : vector<16xi32>
          %jit3A_209 = arith.constant 1.000000e+00 : f32
          %jit3A_210 = arith.constant 0.000000e+00 : f32
          %broadcast_in_dim3A_211 = vector.broadcast %jit3A_209 : f32 to vector<16xf32>
          %broadcast_in_dim3A_212 = vector.broadcast %jit3A_210 : f32 to vector<16xf32>
          %select_n3A_213 = arith.select %gt3A_208, %broadcast_in_dim3A_211, %broadcast_in_dim3A_212 : vector<16xi1>, vector<16xf32>
          %add3A_214 = arith.addf %add3A_202, %select_n3A_213 : vector<16xf32>
          %add3A_215 = arith.constant 176 : i32
          %add3A_216 = arith.addi %mul3A_85, %add3A_215 : i32
          %get3A_217 = arith.index_cast %add3A_216 : i32 to index
          %get3A_218 = tpu.vector_load %arg4[%get3A_217] {strides = array<i32>} : memref<20480xi32, #tpu.memory_space<vmem>>, vector<16xi32>,
          %get3A_219 = vector.shape_cast %get3A_218 : vector<16xi32> to vector<16xi32>
          %gt3A_220 = arith.cmpi sgt, %get3A_219, %shift_right_arithmetic3A_56 : vector<16xi32>
          %jit3A_221 = arith.constant 1.000000e+00 : f32
          %jit3A_222 = arith.constant 0.000000e+00 : f32
          %broadcast_in_dim3A_223 = vector.broadcast %jit3A_221 : f32 to vector<16xf32>
          %broadcast_in_dim3A_224 = vector.broadcast %jit3A_222 : f32 to vector<16xf32>
          %select_n3A_225 = arith.select %gt3A_220, %broadcast_in_dim3A_223, %broadcast_in_dim3A_224 : vector<16xi1>, vector<16xf32>
          %add3A_226 = arith.addf %add3A_214, %select_n3A_225 : vector<16xf32>
          %add3A_227 = arith.constant 192 : i32
          %add3A_228 = arith.addi %mul3A_85, %add3A_227 : i32
          %get3A_229 = arith.index_cast %add3A_228 : i32 to index
          %get3A_230 = tpu.vector_load %arg4[%get3A_229] {strides = array<i32>} : memref<20480xi32, #tpu.memory_space<vmem>>, vector<16xi32>,
          %get3A_231 = vector.shape_cast %get3A_230 : vector<16xi32> to vector<16xi32>
          %gt3A_232 = arith.cmpi sgt, %get3A_231, %shift_right_arithmetic3A_56 : vector<16xi32>
          %jit3A_233 = arith.constant 1.000000e+00 : f32
          %jit3A_234 = arith.constant 0.000000e+00 : f32
          %broadcast_in_dim3A_235 = vector.broadcast %jit3A_233 : f32 to vector<16xf32>
          %broadcast_in_dim3A_236 = vector.broadcast %jit3A_234 : f32 to vector<16xf32>
          %select_n3A_237 = arith.select %gt3A_232, %broadcast_in_dim3A_235, %broadcast_in_dim3A_236 : vector<16xi1>, vector<16xf32>
          %add3A_238 = arith.addf %add3A_226, %select_n3A_237 : vector<16xf32>
          %add3A_239 = arith.constant 208 : i32
          %add3A_240 = arith.addi %mul3A_85, %add3A_239 : i32
          %get3A_241 = arith.index_cast %add3A_240 : i32 to index
          %get3A_242 = tpu.vector_load %arg4[%get3A_241] {strides = array<i32>} : memref<20480xi32, #tpu.memory_space<vmem>>, vector<16xi32>,
          %get3A_243 = vector.shape_cast %get3A_242 : vector<16xi32> to vector<16xi32>
          %gt3A_244 = arith.cmpi sgt, %get3A_243, %shift_right_arithmetic3A_56 : vector<16xi32>
          %jit3A_245 = arith.constant 1.000000e+00 : f32
          %jit3A_246 = arith.constant 0.000000e+00 : f32
          %broadcast_in_dim3A_247 = vector.broadcast %jit3A_245 : f32 to vector<16xf32>
          %broadcast_in_dim3A_248 = vector.broadcast %jit3A_246 : f32 to vector<16xf32>
          %select_n3A_249 = arith.select %gt3A_244, %broadcast_in_dim3A_247, %broadcast_in_dim3A_248 : vector<16xi1>, vector<16xf32>
          %add3A_250 = arith.addf %add3A_238, %select_n3A_249 : vector<16xf32>
          %add3A_251 = arith.constant 224 : i32
          %add3A_252 = arith.addi %mul3A_85, %add3A_251 : i32
          %get3A_253 = arith.index_cast %add3A_252 : i32 to index
          %get3A_254 = tpu.vector_load %arg4[%get3A_253] {strides = array<i32>} : memref<20480xi32, #tpu.memory_space<vmem>>, vector<16xi32>,
          %get3A_255 = vector.shape_cast %get3A_254 : vector<16xi32> to vector<16xi32>
          %gt3A_256 = arith.cmpi sgt, %get3A_255, %shift_right_arithmetic3A_56 : vector<16xi32>
          %jit3A_257 = arith.constant 1.000000e+00 : f32
          %jit3A_258 = arith.constant 0.000000e+00 : f32
          %broadcast_in_dim3A_259 = vector.broadcast %jit3A_257 : f32 to vector<16xf32>
          %broadcast_in_dim3A_260 = vector.broadcast %jit3A_258 : f32 to vector<16xf32>
          %select_n3A_261 = arith.select %gt3A_256, %broadcast_in_dim3A_259, %broadcast_in_dim3A_260 : vector<16xi1>, vector<16xf32>
          %add3A_262 = arith.addf %add3A_250, %select_n3A_261 : vector<16xf32>
          %add3A_263 = arith.constant 240 : i32
          %add3A_264 = arith.addi %mul3A_85, %add3A_263 : i32
          %get3A_265 = arith.index_cast %add3A_264 : i32 to index
          %get3A_266 = tpu.vector_load %arg4[%get3A_265] {strides = array<i32>} : memref<20480xi32, #tpu.memory_space<vmem>>, vector<16xi32>,
          %get3A_267 = vector.shape_cast %get3A_266 : vector<16xi32> to vector<16xi32>
          %gt3A_268 = arith.cmpi sgt, %get3A_267, %shift_right_arithmetic3A_56 : vector<16xi32>
          %jit3A_269 = arith.constant 1.000000e+00 : f32
          %jit3A_270 = arith.constant 0.000000e+00 : f32
          %broadcast_in_dim3A_271 = vector.broadcast %jit3A_269 : f32 to vector<16xf32>
          %broadcast_in_dim3A_272 = vector.broadcast %jit3A_270 : f32 to vector<16xf32>
          %select_n3A_273 = arith.select %gt3A_268, %broadcast_in_dim3A_271, %broadcast_in_dim3A_272 : vector<16xi1>, vector<16xf32>
          %add3A_274 = arith.addf %add3A_262, %select_n3A_273 : vector<16xf32>
          scf.yield %add3A_274 : vector<16xf32>
        }
        %scan3A_64 = arith.constant 80 : i32
        %swap3A_65 = arith.constant 0 : index
        %swap3A_66 = tpu.vector_load %arg5[%swap3A_65] {strides = array<i32>} : memref<32xf32, #tpu.memory_space<vmem>>, vector<16xf32>,
        %swap3A_67 = vector.shape_cast %swap3A_66 : vector<16xf32> to vector<16xf32>
        %swap3A_68 = vector.shape_cast %scan3A_63 : vector<16xf32> to vector<16xf32>
        tpu.vector_store %arg5[%swap3A_65], %swap3A_68 {strides = array<i32>} : memref<32xf32, #tpu.memory_space<vmem>>, vector<16xf32>,
        %swap3A_69 = arith.constant 16 : index
        %swap3A_70 = tpu.vector_load %arg5[%swap3A_69] {strides = array<i32>} : memref<32xf32, #tpu.memory_space<vmem>>, vector<16xf32>,
        %swap3A_71 = vector.shape_cast %swap3A_70 : vector<16xf32> to vector<16xf32>
        %swap3A_72 = vector.shape_cast %scan3A_63 : vector<16xf32> to vector<16xf32>
        tpu.vector_store %arg5[%swap3A_69], %swap3A_72 {strides = array<i32>} : memref<32xf32, #tpu.memory_space<vmem>>, vector<16xf32>,
        %scan3A_73 = arith.constant 1 : i32
        %scan3A_74 = arith.constant 15 : i32
        %scan3A_75 = arith.addi %scan3A_73, %scan3A_74 : i32
        %scan3A_76 = arith.constant 1 : i32
        %scan3A_77 = scf.for %scan3A_82 = %scan3A_73 to %scan3A_75 step %scan3A_76 iter_args(%scan3A_83 = %scan3A_63) -> (vector<16xf32>)  : i32 {
          %get3A = arith.index_cast %scan3A_82 : i32 to index
          %get3A_84 = tpu.vector_load %arg5[%get3A] {strides = array<i32>} : memref<32xf32, #tpu.memory_space<vmem>>, vector<16xf32>,
          %get3A_85 = vector.shape_cast %get3A_84 : vector<16xf32> to vector<16xf32>
          %add3A_86 = arith.addf %scan3A_83, %get3A_85 : vector<16xf32>
          scf.yield %add3A_86 : vector<16xf32>
        }
        %scan3A_78 = arith.constant 15 : i32
        %lt3A = arith.constant 5.000000e+02 : f32
        %lt3A_79 = vector.broadcast %lt3A : f32 to vector<16xf32>
        %lt3A_80 = arith.cmpf olt, %scan3A_77, %lt3A_79 : vector<16xf32>
        %select_n3A = arith.select %lt3A_80, %shift_right_arithmetic3A_56, %scan3A_53 : vector<16xi1>, vector<16xi32>
        %select_n3A_81 = arith.select %lt3A_80, %scan3A_52, %shift_right_arithmetic3A_56 : vector<16xi1>, vector<16xi32>
        scf.yield %select_n3A_81, %select_n3A : vector<16xi32>, vector<16xi32>
      }
      %scan3A_20 = arith.constant 31 : i32
      %broadcast_in_dim3A_21 = arith.constant 0.000000e+00 : f32
      %broadcast_in_dim3A_22 = vector.broadcast %broadcast_in_dim3A_21 : f32 to vector<16xf32>
      %scan3A_23 = arith.constant 0 : i32
      %scan3A_24 = arith.constant 80 : i32
      %scan3A_25 = arith.addi %scan3A_23, %scan3A_24 : i32
      %scan3A_26 = arith.constant 1 : i32
      %scan3A_27 = scf.for %scan3A_51 = %scan3A_23 to %scan3A_25 step %scan3A_26 iter_args(%scan3A_52 = %broadcast_in_dim3A_22) -> (vector<16xf32>)  : i32 {
        %mul3A_53 = arith.constant 256 : i32
        %mul3A_54 = arith.muli %scan3A_51, %mul3A_53 : i32
        %add3A_55 = arith.constant 0 : i32
        %add3A_56 = arith.addi %mul3A_54, %add3A_55 : i32
        %get3A = arith.index_cast %add3A_56 : i32 to index
        %get3A_57 = tpu.vector_load %arg4[%get3A] {strides = array<i32>} : memref<20480xi32, #tpu.memory_space<vmem>>, vector<16xi32>,
        %get3A_58 = vector.shape_cast %get3A_57 : vector<16xi32> to vector<16xi32>
        %gt3A = arith.cmpi sgt, %get3A_58, %scan3A_19#1 : vector<16xi32>
        %jit3A = arith.constant 1.000000e+00 : f32
        %jit3A_59 = arith.constant 0.000000e+00 : f32
        %broadcast_in_dim3A_60 = vector.broadcast %jit3A : f32 to vector<16xf32>
        %broadcast_in_dim3A_61 = vector.broadcast %jit3A_59 : f32 to vector<16xf32>
        %select_n3A = arith.select %gt3A, %broadcast_in_dim3A_60, %broadcast_in_dim3A_61 : vector<16xi1>, vector<16xf32>
        %add3A_62 = arith.addf %scan3A_52, %select_n3A : vector<16xf32>
        %add3A_63 = arith.constant 16 : i32
        %add3A_64 = arith.addi %mul3A_54, %add3A_63 : i32
        %get3A_65 = arith.index_cast %add3A_64 : i32 to index
        %get3A_66 = tpu.vector_load %arg4[%get3A_65] {strides = array<i32>} : memref<20480xi32, #tpu.memory_space<vmem>>, vector<16xi32>,
        %get3A_67 = vector.shape_cast %get3A_66 : vector<16xi32> to vector<16xi32>
        %gt3A_68 = arith.cmpi sgt, %get3A_67, %scan3A_19#1 : vector<16xi32>
        %jit3A_69 = arith.constant 1.000000e+00 : f32
        %jit3A_70 = arith.constant 0.000000e+00 : f32
        %broadcast_in_dim3A_71 = vector.broadcast %jit3A_69 : f32 to vector<16xf32>
        %broadcast_in_dim3A_72 = vector.broadcast %jit3A_70 : f32 to vector<16xf32>
        %select_n3A_73 = arith.select %gt3A_68, %broadcast_in_dim3A_71, %broadcast_in_dim3A_72 : vector<16xi1>, vector<16xf32>
        %add3A_74 = arith.addf %add3A_62, %select_n3A_73 : vector<16xf32>
        %add3A_75 = arith.constant 32 : i32
        %add3A_76 = arith.addi %mul3A_54, %add3A_75 : i32
        %get3A_77 = arith.index_cast %add3A_76 : i32 to index
        %get3A_78 = tpu.vector_load %arg4[%get3A_77] {strides = array<i32>} : memref<20480xi32, #tpu.memory_space<vmem>>, vector<16xi32>,
        %get3A_79 = vector.shape_cast %get3A_78 : vector<16xi32> to vector<16xi32>
        %gt3A_80 = arith.cmpi sgt, %get3A_79, %scan3A_19#1 : vector<16xi32>
        %jit3A_81 = arith.constant 1.000000e+00 : f32
        %jit3A_82 = arith.constant 0.000000e+00 : f32
        %broadcast_in_dim3A_83 = vector.broadcast %jit3A_81 : f32 to vector<16xf32>
        %broadcast_in_dim3A_84 = vector.broadcast %jit3A_82 : f32 to vector<16xf32>
        %select_n3A_85 = arith.select %gt3A_80, %broadcast_in_dim3A_83, %broadcast_in_dim3A_84 : vector<16xi1>, vector<16xf32>
        %add3A_86 = arith.addf %add3A_74, %select_n3A_85 : vector<16xf32>
        %add3A_87 = arith.constant 48 : i32
        %add3A_88 = arith.addi %mul3A_54, %add3A_87 : i32
        %get3A_89 = arith.index_cast %add3A_88 : i32 to index
        %get3A_90 = tpu.vector_load %arg4[%get3A_89] {strides = array<i32>} : memref<20480xi32, #tpu.memory_space<vmem>>, vector<16xi32>,
        %get3A_91 = vector.shape_cast %get3A_90 : vector<16xi32> to vector<16xi32>
        %gt3A_92 = arith.cmpi sgt, %get3A_91, %scan3A_19#1 : vector<16xi32>
        %jit3A_93 = arith.constant 1.000000e+00 : f32
        %jit3A_94 = arith.constant 0.000000e+00 : f32
        %broadcast_in_dim3A_95 = vector.broadcast %jit3A_93 : f32 to vector<16xf32>
        %broadcast_in_dim3A_96 = vector.broadcast %jit3A_94 : f32 to vector<16xf32>
        %select_n3A_97 = arith.select %gt3A_92, %broadcast_in_dim3A_95, %broadcast_in_dim3A_96 : vector<16xi1>, vector<16xf32>
        %add3A_98 = arith.addf %add3A_86, %select_n3A_97 : vector<16xf32>
        %add3A_99 = arith.constant 64 : i32
        %add3A_100 = arith.addi %mul3A_54, %add3A_99 : i32
        %get3A_101 = arith.index_cast %add3A_100 : i32 to index
        %get3A_102 = tpu.vector_load %arg4[%get3A_101] {strides = array<i32>} : memref<20480xi32, #tpu.memory_space<vmem>>, vector<16xi32>,
        %get3A_103 = vector.shape_cast %get3A_102 : vector<16xi32> to vector<16xi32>
        %gt3A_104 = arith.cmpi sgt, %get3A_103, %scan3A_19#1 : vector<16xi32>
        %jit3A_105 = arith.constant 1.000000e+00 : f32
        %jit3A_106 = arith.constant 0.000000e+00 : f32
        %broadcast_in_dim3A_107 = vector.broadcast %jit3A_105 : f32 to vector<16xf32>
        %broadcast_in_dim3A_108 = vector.broadcast %jit3A_106 : f32 to vector<16xf32>
        %select_n3A_109 = arith.select %gt3A_104, %broadcast_in_dim3A_107, %broadcast_in_dim3A_108 : vector<16xi1>, vector<16xf32>
        %add3A_110 = arith.addf %add3A_98, %select_n3A_109 : vector<16xf32>
        %add3A_111 = arith.constant 80 : i32
        %add3A_112 = arith.addi %mul3A_54, %add3A_111 : i32
        %get3A_113 = arith.index_cast %add3A_112 : i32 to index
        %get3A_114 = tpu.vector_load %arg4[%get3A_113] {strides = array<i32>} : memref<20480xi32, #tpu.memory_space<vmem>>, vector<16xi32>,
        %get3A_115 = vector.shape_cast %get3A_114 : vector<16xi32> to vector<16xi32>
        %gt3A_116 = arith.cmpi sgt, %get3A_115, %scan3A_19#1 : vector<16xi32>
        %jit3A_117 = arith.constant 1.000000e+00 : f32
        %jit3A_118 = arith.constant 0.000000e+00 : f32
        %broadcast_in_dim3A_119 = vector.broadcast %jit3A_117 : f32 to vector<16xf32>
        %broadcast_in_dim3A_120 = vector.broadcast %jit3A_118 : f32 to vector<16xf32>
        %select_n3A_121 = arith.select %gt3A_116, %broadcast_in_dim3A_119, %broadcast_in_dim3A_120 : vector<16xi1>, vector<16xf32>
        %add3A_122 = arith.addf %add3A_110, %select_n3A_121 : vector<16xf32>
        %add3A_123 = arith.constant 96 : i32
        %add3A_124 = arith.addi %mul3A_54, %add3A_123 : i32
        %get3A_125 = arith.index_cast %add3A_124 : i32 to index
        %get3A_126 = tpu.vector_load %arg4[%get3A_125] {strides = array<i32>} : memref<20480xi32, #tpu.memory_space<vmem>>, vector<16xi32>,
        %get3A_127 = vector.shape_cast %get3A_126 : vector<16xi32> to vector<16xi32>
        %gt3A_128 = arith.cmpi sgt, %get3A_127, %scan3A_19#1 : vector<16xi32>
        %jit3A_129 = arith.constant 1.000000e+00 : f32
        %jit3A_130 = arith.constant 0.000000e+00 : f32
        %broadcast_in_dim3A_131 = vector.broadcast %jit3A_129 : f32 to vector<16xf32>
        %broadcast_in_dim3A_132 = vector.broadcast %jit3A_130 : f32 to vector<16xf32>
        %select_n3A_133 = arith.select %gt3A_128, %broadcast_in_dim3A_131, %broadcast_in_dim3A_132 : vector<16xi1>, vector<16xf32>
        %add3A_134 = arith.addf %add3A_122, %select_n3A_133 : vector<16xf32>
        %add3A_135 = arith.constant 112 : i32
        %add3A_136 = arith.addi %mul3A_54, %add3A_135 : i32
        %get3A_137 = arith.index_cast %add3A_136 : i32 to index
        %get3A_138 = tpu.vector_load %arg4[%get3A_137] {strides = array<i32>} : memref<20480xi32, #tpu.memory_space<vmem>>, vector<16xi32>,
        %get3A_139 = vector.shape_cast %get3A_138 : vector<16xi32> to vector<16xi32>
        %gt3A_140 = arith.cmpi sgt, %get3A_139, %scan3A_19#1 : vector<16xi32>
        %jit3A_141 = arith.constant 1.000000e+00 : f32
        %jit3A_142 = arith.constant 0.000000e+00 : f32
        %broadcast_in_dim3A_143 = vector.broadcast %jit3A_141 : f32 to vector<16xf32>
        %broadcast_in_dim3A_144 = vector.broadcast %jit3A_142 : f32 to vector<16xf32>
        %select_n3A_145 = arith.select %gt3A_140, %broadcast_in_dim3A_143, %broadcast_in_dim3A_144 : vector<16xi1>, vector<16xf32>
        %add3A_146 = arith.addf %add3A_134, %select_n3A_145 : vector<16xf32>
        %add3A_147 = arith.constant 128 : i32
        %add3A_148 = arith.addi %mul3A_54, %add3A_147 : i32
        %get3A_149 = arith.index_cast %add3A_148 : i32 to index
        %get3A_150 = tpu.vector_load %arg4[%get3A_149] {strides = array<i32>} : memref<20480xi32, #tpu.memory_space<vmem>>, vector<16xi32>,
        %get3A_151 = vector.shape_cast %get3A_150 : vector<16xi32> to vector<16xi32>
        %gt3A_152 = arith.cmpi sgt, %get3A_151, %scan3A_19#1 : vector<16xi32>
        %jit3A_153 = arith.constant 1.000000e+00 : f32
        %jit3A_154 = arith.constant 0.000000e+00 : f32
        %broadcast_in_dim3A_155 = vector.broadcast %jit3A_153 : f32 to vector<16xf32>
        %broadcast_in_dim3A_156 = vector.broadcast %jit3A_154 : f32 to vector<16xf32>
        %select_n3A_157 = arith.select %gt3A_152, %broadcast_in_dim3A_155, %broadcast_in_dim3A_156 : vector<16xi1>, vector<16xf32>
        %add3A_158 = arith.addf %add3A_146, %select_n3A_157 : vector<16xf32>
        %add3A_159 = arith.constant 144 : i32
        %add3A_160 = arith.addi %mul3A_54, %add3A_159 : i32
        %get3A_161 = arith.index_cast %add3A_160 : i32 to index
        %get3A_162 = tpu.vector_load %arg4[%get3A_161] {strides = array<i32>} : memref<20480xi32, #tpu.memory_space<vmem>>, vector<16xi32>,
        %get3A_163 = vector.shape_cast %get3A_162 : vector<16xi32> to vector<16xi32>
        %gt3A_164 = arith.cmpi sgt, %get3A_163, %scan3A_19#1 : vector<16xi32>
        %jit3A_165 = arith.constant 1.000000e+00 : f32
        %jit3A_166 = arith.constant 0.000000e+00 : f32
        %broadcast_in_dim3A_167 = vector.broadcast %jit3A_165 : f32 to vector<16xf32>
        %broadcast_in_dim3A_168 = vector.broadcast %jit3A_166 : f32 to vector<16xf32>
        %select_n3A_169 = arith.select %gt3A_164, %broadcast_in_dim3A_167, %broadcast_in_dim3A_168 : vector<16xi1>, vector<16xf32>
        %add3A_170 = arith.addf %add3A_158, %select_n3A_169 : vector<16xf32>
        %add3A_171 = arith.constant 160 : i32
        %add3A_172 = arith.addi %mul3A_54, %add3A_171 : i32
        %get3A_173 = arith.index_cast %add3A_172 : i32 to index
        %get3A_174 = tpu.vector_load %arg4[%get3A_173] {strides = array<i32>} : memref<20480xi32, #tpu.memory_space<vmem>>, vector<16xi32>,
        %get3A_175 = vector.shape_cast %get3A_174 : vector<16xi32> to vector<16xi32>
        %gt3A_176 = arith.cmpi sgt, %get3A_175, %scan3A_19#1 : vector<16xi32>
        %jit3A_177 = arith.constant 1.000000e+00 : f32
        %jit3A_178 = arith.constant 0.000000e+00 : f32
        %broadcast_in_dim3A_179 = vector.broadcast %jit3A_177 : f32 to vector<16xf32>
        %broadcast_in_dim3A_180 = vector.broadcast %jit3A_178 : f32 to vector<16xf32>
        %select_n3A_181 = arith.select %gt3A_176, %broadcast_in_dim3A_179, %broadcast_in_dim3A_180 : vector<16xi1>, vector<16xf32>
        %add3A_182 = arith.addf %add3A_170, %select_n3A_181 : vector<16xf32>
        %add3A_183 = arith.constant 176 : i32
        %add3A_184 = arith.addi %mul3A_54, %add3A_183 : i32
        %get3A_185 = arith.index_cast %add3A_184 : i32 to index
        %get3A_186 = tpu.vector_load %arg4[%get3A_185] {strides = array<i32>} : memref<20480xi32, #tpu.memory_space<vmem>>, vector<16xi32>,
        %get3A_187 = vector.shape_cast %get3A_186 : vector<16xi32> to vector<16xi32>
        %gt3A_188 = arith.cmpi sgt, %get3A_187, %scan3A_19#1 : vector<16xi32>
        %jit3A_189 = arith.constant 1.000000e+00 : f32
        %jit3A_190 = arith.constant 0.000000e+00 : f32
        %broadcast_in_dim3A_191 = vector.broadcast %jit3A_189 : f32 to vector<16xf32>
        %broadcast_in_dim3A_192 = vector.broadcast %jit3A_190 : f32 to vector<16xf32>
        %select_n3A_193 = arith.select %gt3A_188, %broadcast_in_dim3A_191, %broadcast_in_dim3A_192 : vector<16xi1>, vector<16xf32>
        %add3A_194 = arith.addf %add3A_182, %select_n3A_193 : vector<16xf32>
        %add3A_195 = arith.constant 192 : i32
        %add3A_196 = arith.addi %mul3A_54, %add3A_195 : i32
        %get3A_197 = arith.index_cast %add3A_196 : i32 to index
        %get3A_198 = tpu.vector_load %arg4[%get3A_197] {strides = array<i32>} : memref<20480xi32, #tpu.memory_space<vmem>>, vector<16xi32>,
        %get3A_199 = vector.shape_cast %get3A_198 : vector<16xi32> to vector<16xi32>
        %gt3A_200 = arith.cmpi sgt, %get3A_199, %scan3A_19#1 : vector<16xi32>
        %jit3A_201 = arith.constant 1.000000e+00 : f32
        %jit3A_202 = arith.constant 0.000000e+00 : f32
        %broadcast_in_dim3A_203 = vector.broadcast %jit3A_201 : f32 to vector<16xf32>
        %broadcast_in_dim3A_204 = vector.broadcast %jit3A_202 : f32 to vector<16xf32>
        %select_n3A_205 = arith.select %gt3A_200, %broadcast_in_dim3A_203, %broadcast_in_dim3A_204 : vector<16xi1>, vector<16xf32>
        %add3A_206 = arith.addf %add3A_194, %select_n3A_205 : vector<16xf32>
        %add3A_207 = arith.constant 208 : i32
        %add3A_208 = arith.addi %mul3A_54, %add3A_207 : i32
        %get3A_209 = arith.index_cast %add3A_208 : i32 to index
        %get3A_210 = tpu.vector_load %arg4[%get3A_209] {strides = array<i32>} : memref<20480xi32, #tpu.memory_space<vmem>>, vector<16xi32>,
        %get3A_211 = vector.shape_cast %get3A_210 : vector<16xi32> to vector<16xi32>
        %gt3A_212 = arith.cmpi sgt, %get3A_211, %scan3A_19#1 : vector<16xi32>
        %jit3A_213 = arith.constant 1.000000e+00 : f32
        %jit3A_214 = arith.constant 0.000000e+00 : f32
        %broadcast_in_dim3A_215 = vector.broadcast %jit3A_213 : f32 to vector<16xf32>
        %broadcast_in_dim3A_216 = vector.broadcast %jit3A_214 : f32 to vector<16xf32>
        %select_n3A_217 = arith.select %gt3A_212, %broadcast_in_dim3A_215, %broadcast_in_dim3A_216 : vector<16xi1>, vector<16xf32>
        %add3A_218 = arith.addf %add3A_206, %select_n3A_217 : vector<16xf32>
        %add3A_219 = arith.constant 224 : i32
        %add3A_220 = arith.addi %mul3A_54, %add3A_219 : i32
        %get3A_221 = arith.index_cast %add3A_220 : i32 to index
        %get3A_222 = tpu.vector_load %arg4[%get3A_221] {strides = array<i32>} : memref<20480xi32, #tpu.memory_space<vmem>>, vector<16xi32>,
        %get3A_223 = vector.shape_cast %get3A_222 : vector<16xi32> to vector<16xi32>
        %gt3A_224 = arith.cmpi sgt, %get3A_223, %scan3A_19#1 : vector<16xi32>
        %jit3A_225 = arith.constant 1.000000e+00 : f32
        %jit3A_226 = arith.constant 0.000000e+00 : f32
        %broadcast_in_dim3A_227 = vector.broadcast %jit3A_225 : f32 to vector<16xf32>
        %broadcast_in_dim3A_228 = vector.broadcast %jit3A_226 : f32 to vector<16xf32>
        %select_n3A_229 = arith.select %gt3A_224, %broadcast_in_dim3A_227, %broadcast_in_dim3A_228 : vector<16xi1>, vector<16xf32>
        %add3A_230 = arith.addf %add3A_218, %select_n3A_229 : vector<16xf32>
        %add3A_231 = arith.constant 240 : i32
        %add3A_232 = arith.addi %mul3A_54, %add3A_231 : i32
        %get3A_233 = arith.index_cast %add3A_232 : i32 to index
        %get3A_234 = tpu.vector_load %arg4[%get3A_233] {strides = array<i32>} : memref<20480xi32, #tpu.memory_space<vmem>>, vector<16xi32>,
        %get3A_235 = vector.shape_cast %get3A_234 : vector<16xi32> to vector<16xi32>
        %gt3A_236 = arith.cmpi sgt, %get3A_235, %scan3A_19#1 : vector<16xi32>
        %jit3A_237 = arith.constant 1.000000e+00 : f32
        %jit3A_238 = arith.constant 0.000000e+00 : f32
        %broadcast_in_dim3A_239 = vector.broadcast %jit3A_237 : f32 to vector<16xf32>
        %broadcast_in_dim3A_240 = vector.broadcast %jit3A_238 : f32 to vector<16xf32>
        %select_n3A_241 = arith.select %gt3A_236, %broadcast_in_dim3A_239, %broadcast_in_dim3A_240 : vector<16xi1>, vector<16xf32>
        %add3A_242 = arith.addf %add3A_230, %select_n3A_241 : vector<16xf32>
        scf.yield %add3A_242 : vector<16xf32>
      }
      %scan3A_28 = arith.constant 80 : i32
      %swap3A = arith.constant 0 : index
      %swap3A_29 = tpu.vector_load %arg5[%swap3A] {strides = array<i32>} : memref<32xf32, #tpu.memory_space<vmem>>, vector<16xf32>,
      %swap3A_30 = vector.shape_cast %swap3A_29 : vector<16xf32> to vector<16xf32>
      %swap3A_31 = vector.shape_cast %scan3A_27 : vector<16xf32> to vector<16xf32>
      tpu.vector_store %arg5[%swap3A], %swap3A_31 {strides = array<i32>} : memref<32xf32, #tpu.memory_space<vmem>>, vector<16xf32>,
      %swap3A_32 = arith.constant 16 : index
      %swap3A_33 = tpu.vector_load %arg5[%swap3A_32] {strides = array<i32>} : memref<32xf32, #tpu.memory_space<vmem>>, vector<16xf32>,
      %swap3A_34 = vector.shape_cast %swap3A_33 : vector<16xf32> to vector<16xf32>
      %swap3A_35 = vector.shape_cast %scan3A_27 : vector<16xf32> to vector<16xf32>
      tpu.vector_store %arg5[%swap3A_32], %swap3A_35 {strides = array<i32>} : memref<32xf32, #tpu.memory_space<vmem>>, vector<16xf32>,
      %scan3A_36 = arith.constant 1 : i32
      %scan3A_37 = arith.constant 15 : i32
      %scan3A_38 = arith.addi %scan3A_36, %scan3A_37 : i32
      %scan3A_39 = arith.constant 1 : i32
      %scan3A_40 = scf.for %scan3A_51 = %scan3A_36 to %scan3A_38 step %scan3A_39 iter_args(%scan3A_52 = %scan3A_27) -> (vector<16xf32>)  : i32 {
        %get3A = arith.index_cast %scan3A_51 : i32 to index
        %get3A_53 = tpu.vector_load %arg5[%get3A] {strides = array<i32>} : memref<32xf32, #tpu.memory_space<vmem>>, vector<16xf32>,
        %get3A_54 = vector.shape_cast %get3A_53 : vector<16xf32> to vector<16xf32>
        %add3A_55 = arith.addf %scan3A_52, %get3A_54 : vector<16xf32>
        scf.yield %add3A_55 : vector<16xf32>
      }
      %scan3A_41 = arith.constant 15 : i32
      %bitcast_convert_type3A = tpu.bitcast %scan3A_19#1 : vector<16xi32> -> vector<16xf32>
      %swap3A_42 = arith.constant 0 : index
      %swap3A_43 = tpu.vector_load %arg6[%swap3A_42] {strides = array<i32>} : memref<32xf32, #tpu.memory_space<vmem>>, vector<16xf32>,
      %swap3A_44 = vector.shape_cast %swap3A_43 : vector<16xf32> to vector<16xf32>
      %swap3A_45 = vector.shape_cast %bitcast_convert_type3A : vector<16xf32> to vector<16xf32>
      tpu.vector_store %arg6[%swap3A_42], %swap3A_45 {strides = array<i32>} : memref<32xf32, #tpu.memory_space<vmem>>, vector<16xf32>,
      %swap3A_46 = arith.constant 16 : index
      %swap3A_47 = tpu.vector_load %arg6[%swap3A_46] {strides = array<i32>} : memref<32xf32, #tpu.memory_space<vmem>>, vector<16xf32>,
      %swap3A_48 = vector.shape_cast %swap3A_47 : vector<16xf32> to vector<16xf32>
      %swap3A_49 = vector.shape_cast %scan3A_40 : vector<16xf32> to vector<16xf32>
      tpu.vector_store %arg6[%swap3A_46], %swap3A_49 {strides = array<i32>} : memref<32xf32, #tpu.memory_space<vmem>>, vector<16xf32>,
      "tpu.region"() ({
        %run_scoped3A = tpu.sem_alloc : memref<!tpu.dma_semaphore, #tpu.memory_space<semaphore_mem>>
        %dma_start3A = arith.constant 0 : i32
        %dma_start3A_51 = tpu.memref_slice %arg3[%add3A_11, %dma_start3A] : memref<192x32xf32, #tpu.memory_space<hbm>> -> memref<1x32xf32, #tpu.memory_space<hbm>>
        %dma_start3A_52 = tpu.memref_squeeze %dma_start3A_51 : memref<1x32xf32, #tpu.memory_space<hbm>> -> memref<32xf32, #tpu.memory_space<hbm>>
        %dma_start3A_53 = arith.constant 0 : i32
        %dma_start3A_54 = tpu.memref_slice %arg3[%add3A_11, %dma_start3A_53] : memref<192x32xf32, #tpu.memory_space<hbm>> -> memref<1x32xf32, #tpu.memory_space<hbm>>
        %dma_start3A_55 = tpu.memref_squeeze %dma_start3A_54 : memref<1x32xf32, #tpu.memory_space<hbm>> -> memref<32xf32, #tpu.memory_space<hbm>>
        tpu.enqueue_dma source(%arg6 : memref<32xf32, #tpu.memory_space<vmem>>) target(%dma_start3A_55 : memref<32xf32, #tpu.memory_space<hbm>>) target_semaphore(%run_scoped3A : memref<!tpu.dma_semaphore, #tpu.memory_space<semaphore_mem>>)
        %dma_wait3A = arith.constant 0 : i32
        %dma_wait3A_56 = tpu.memref_slice %arg3[%add3A_11, %dma_wait3A] : memref<192x32xf32, #tpu.memory_space<hbm>> -> memref<1x32xf32, #tpu.memory_space<hbm>>
        %dma_wait3A_57 = tpu.memref_squeeze %dma_wait3A_56 : memref<1x32xf32, #tpu.memory_space<hbm>> -> memref<32xf32, #tpu.memory_space<hbm>>
        %dma_wait3A_58 = arith.constant 0 : i32
        %dma_wait3A_59 = tpu.memref_slice %arg3[%add3A_11, %dma_wait3A_58] : memref<192x32xf32, #tpu.memory_space<hbm>> -> memref<1x32xf32, #tpu.memory_space<hbm>>
        %dma_wait3A_60 = tpu.memref_squeeze %dma_wait3A_59 : memref<1x32xf32, #tpu.memory_space<hbm>> -> memref<32xf32, #tpu.memory_space<hbm>>
        tpu.wait_dma2 semaphore(%run_scoped3A : memref<!tpu.dma_semaphore, #tpu.memory_space<semaphore_mem>>) src(%arg6 : memref<32xf32, #tpu.memory_space<vmem>>) dst(%dma_wait3A_60 : memref<32xf32, #tpu.memory_space<hbm>>)
        tpu.yield
      }) : () -> ()
      %scan3A_50 = arith.constant 0 : i32
      scf.yield %scan3A_50 : i32
    }
    %scan3A_6 = arith.constant 6 : i32
    return
  }
}

</mosaic_0001>

<sc_bundles>
// kernel: _sc_cutoff.3.cloned.1.call-start
scs
__scs_entry_jumppad:
0x0: {  	(pc) =	sbr.rel $0x88, $3  }
0x1: {  	(tag) =	ssettag $0x0;
	lr =	simm.s32 $0x1  }
0x2: {  	[smem:$0x3FA0] =	sst lr;
	_ =	strace $0xD0000000  }
0x3: {  	_ = 	snop  }
0x4: {  	_ = 	snop  }
0x5: {  	_ = 	snop  }
0x6: {  	_ = 	snop  }
0x7: {  	_ = 	snop  }
__scs_overlays_trampoline_lowered:
0x8: {  	[smem:$0x3FAF] =	sst s0  }
0x9: {  	[smem:$0x3FB0] =	sst s1  }
0xa: {  	[smem:$0x3FB1] =	sst s2  }
0xb: {  	[smem:$0x3FB2] =	sst s3  }
0xc: {  	[smem:$0x3FB3] =	sst s4  }
0xd: {  	[smem:$0x3FB4] =	sst s5  }
0xe: {  	[smem:$0x3FB5] =	sst s6  }
0xf: {  	[smem:$0x3FB6] =	sst s7  }
0x10: {  	[smem:$0x3FB7] =	sst s8  }
0x11: {  	[smem:$0x3FB8] =	sst s9;
	s0 =	simm.s32 @!p0 $0x0  }
0x12: {  	s1 =	sld [smem:$0x3F9E];
	s0 =	simm.s32 @p0 $0x1  }
0x13: {  	[smem:$0x3FB9] =	sst s0;
	s0 =	simm.s32 @!p1 $0x0  }
0x14: {  	s2 =	sld [smem:$0x3F9D];
	s0 =	simm.s32 @p1 $0x1  }
0x15: {  	[smem:$0x3FBA] =	sst s0;
	s0 =	simm.s32 @!p2 $0x0  }
0x16: {  	s3 =	sld [smem:$0x3FDB];
	s0 =	simm.s32 @p2 $0x1  }
0x17: {  	s4 =	simm.s32 $0x1BF5;
	[smem:$0x3FBC] =	sst s0  }
0x18: {  	s0 =	sld [smem:$0x3F9F];
	_ =	swait.ge [sflag:s4], $0x0  }
0x19: {  	s7 =	sld [smem:$0x3FA0]  }
0x1a: {  	s8 =	sadd.s32 $0xFFFFE003, lr  }
0x1b: {  	s9 =	sadd.s32 $0xFFFFFEF7, lr;
	s5 =	simm.s32 $0xFFFFFFFF;
	p2 =	slt.u32 s8, $0xFFFFF086  }
0x1c: {  	p1 =	slt.u32 s9, $0xF7A;
	s5 =	simm.s32 @!p2 $0x0  }
0x1d: {  	s5 =	simm.s32 @p1 $0x1;
	p0 =	seq.s32 s7, s2  }
0x1e: {  	s7 =	smul.u32 @!p0 $0xF7A, s2;
	p2 =	seq.s32 @!p0 s5, $0x0  }
0x1f: {  	s9 =	smul.u32 $0xF7A, s1;
	s8 =	simm.s32 @!p0 $0x1BF5;
	p2 =	por !p2, p0  }
0x20: {  	[sflag:s8] =	ssyncset.s32 @!p0 $0xFFFFF086;
	s6 =	sadd.s32 @!p0 s3, s7;
	s7 =	simm.s32 @!p0 $0x108  }
0x21: {  	s3 =	sadd.s32 s3, s9;
	s6 =	sadd.s32 @!p0 $0x88, s6;
	s7 =	simm.s32 @p2 $0x1082  }
0x22: {  	[simem:s7], [sflag:s8] =	dma.local @!p0 [hbm:s6], $0xF7A  }
0x23: {  	s9 =	sor.u32 $0xD0000000, s2;
	s6 =	simm.s32 $0x108;
	_ =	swait.ge @!p0 [sflag:s8], $0x0  }
0x24: {  	s3 =	sadd.s32 $0x88, s3;
	s6 =	simm.s32 @!p1 $0x1082;
	[sflag:s4] =	ssyncset.s32 $0xFFFFF086  }
0x25: {  	[simem:s6], [sflag:s4] =	dma.local [hbm:s3], $0xF7A  }
0x26: {  	[smem:$0x3FA0] =	sst s1;
	(tag) =	ssettag s2;
	_ =	strace s9  }
0x27: {  	s1 =	sld [smem:$0x3FB0]  }
0x28: {  	s2 =	sld [smem:$0x3FB1]  }
0x29: {  	s4 =	sld [smem:$0x3FB3]  }
0x2a: {  	p0 =	seq.s32 s5, $0x0;
	s5 =	sld [smem:$0x3FB4]  }
0x2b: {  	s6 =	sld [smem:$0x3FB5]  }
0x2c: {  	s7 =	sld [smem:$0x3FB6]  }
0x2d: {  	s3 =	simm.s32 $0x108;
	s8 =	sld [smem:$0x3FB7]  }
0x2e: {  	s3 =	simm.s32 @!p0 $0x1082;
	s9 =	sld [smem:$0x3FB8]  }
0x2f: {  	lr =	sadd.s32 s0, s3;
	s0 =	sld [smem:$0x3FAF]  }
0x30: {  	s3 =	sld [smem:$0x3FB2]  }
0x31: {  	[smem:$0x3FBB] =	sst s10  }
0x32: {  	s10 =	sld [smem:$0x3FB9];
	_ =	sdelay $0x3  }
0x33: {  	p0 =	seq.s32 s10, $0x1;
	s10 =	sld [smem:$0x3FBB];
	_ =	sdelay $0x3  }
0x34: {  	[smem:$0x3FBB] =	sst s10  }
0x35: {  	s10 =	sld [smem:$0x3FBA];
	_ =	sdelay $0x3  }
0x36: {  	p1 =	seq.s32 s10, $0x1;
	s10 =	sld [smem:$0x3FBB];
	_ =	sdelay $0x3  }
0x37: {  	[smem:$0x3FBB] =	sst s10  }
0x38: {  	s10 =	sld [smem:$0x3FBC]  }
0x39: {  	_ = 	snop;
	(pc) =	sbr.ind lr, $3  }
0x3a: {  	_ = 	snop  }
0x3b: {  	_ = 	snop  }
0x3c: {  	p2 =	seq.s32 s10, $0x1;
	s10 =	sld [smem:$0x3FBB]  }
0x3d: {  	_ =	shalt  }
0x3e: {  	_ =	shalt  }
0x3f: {  	_ =	shalt  }
0x40: {  	_ =	shalt  }
0x41: {  	_ =	shalt  }
0x42: {  	_ =	shalt  }
0x43: {  	_ =	shalt  }
0x44: {  	_ =	shalt  }
0x45: {  	_ =	shalt  }
0x46: {  	_ =	shalt  }
0x47: {  	_ =	shalt  }
0x48: {  	_ =	shalt  }
0x49: {  	_ =	shalt  }
0x4a: {  	_ =	shalt  }
0x4b: {  	_ =	shalt  }
0x4c: {  	_ =	shalt  }
0x4d: {  	_ =	shalt  }
0x4e: {  	_ =	shalt  }
0x4f: {  	_ =	shalt  }
0x50: {  	_ =	shalt  }
0x51: {  	_ =	shalt  }
0x52: {  	_ =	shalt  }
0x53: {  	_ =	shalt  }
0x54: {  	_ =	shalt  }
0x55: {  	_ =	shalt  }
0x56: {  	_ =	shalt  }
0x57: {  	_ =	shalt  }
0x58: {  	_ =	shalt  }
0x59: {  	_ =	shalt  }
0x5a: {  	_ =	shalt  }
0x5b: {  	_ =	shalt  }
0x5c: {  	_ =	shalt  }
0x5d: {  	_ =	shalt  }
0x5e: {  	_ =	shalt  }
0x5f: {  	_ =	shalt  }
0x60: {  	_ =	shalt  }
0x61: {  	_ =	shalt  }
0x62: {  	_ =	shalt  }
0x63: {  	_ =	shalt  }
0x64: {  	_ =	shalt  }
0x65: {  	_ =	shalt  }
0x66: {  	_ =	shalt  }
0x67: {  	_ =	shalt  }
0x68: {  	_ =	shalt  }
0x69: {  	_ =	shalt  }
0x6a: {  	_ =	shalt  }
0x6b: {  	_ =	shalt  }
0x6c: {  	_ =	shalt  }
0x6d: {  	_ =	shalt  }
0x6e: {  	_ =	shalt  }
0x6f: {  	_ =	shalt  }
0x70: {  	_ =	shalt  }
0x71: {  	_ =	shalt  }
0x72: {  	_ =	shalt  }
0x73: {  	_ =	shalt  }
0x74: {  	_ =	shalt  }
0x75: {  	_ =	shalt  }
0x76: {  	_ =	shalt  }
0x77: {  	_ =	shalt  }
0x78: {  	_ =	shalt  }
0x79: {  	_ =	shalt  }
0x7a: {  	_ =	shalt  }
0x7b: {  	_ =	shalt  }
0x7c: {  	_ =	shalt  }
0x7d: {  	_ =	shalt  }
0x7e: {  	_ =	shalt  }
0x7f: {  	_ =	shalt  }
0x80: {  	_ =	shalt  }
0x81: {  	_ =	shalt  }
0x82: {  	_ =	shalt  }
0x83: {  	_ =	shalt  }
0x84: {  	_ =	shalt  }
0x85: {  	_ =	shalt  }
0x86: {  	_ =	shalt  }
0x87: {  	_ =	shalt  }
.Lfunc_end0:
.L_simem_size_0:
called_computation_lowered:
.L_overlay_start_0:
0x88: {  	s2 =	sld [smem:$0x3FD9]  }
0x89: {  	s3 =	sld [smem:$0x3FFE];
	_ =	sdelay $0x1  }
0x8a: {  	s1 =	srdreg.scid  }
0x8b: {  	s0 =	sand.u32 $0x1, s1  }
0x8c: {  	s17 =	sshll.u32 s0, $0xA;
	s2 =	sadd.s32 s3, s2  }
0x8d: {  	s2 =	sadd.s32 s2, s17  }
0x8e: {  	[smem:$0x3FC7] =	sst s2  }
0x8f: {  	_ = 	snop  }
0x90: {  	s2 =	sld [smem:$0x3FC9];
	(tm) =	ssettm $0x1  }
0x91: {  	s18 =	sld [smem:$0x3FFB];
	_ =	sdelay $0x3  }
0x92: {  	_ =	strace s18  }
0x93: {  	s3 =	sld [smem:$0x3FFC];
	_ =	sdelay $0x3  }
0x94: {  	_ =	strace s3  }
0x95: {  	s3 =	sld [smem:$0x3FFD];
	_ =	sdelay $0x3  }
0x96: {  	_ =	strace s3  }
0x97: {  	_ =	strace $0x8FFFFFFF  }
0x98: {  	s19 =	sld [smem:$0x3FDB];
	_ =	sdelay $0x1  }
0x99: {  	s4 =	simm.s32 $_scs_section_size  }
0x9a: {  	s5 =	simm.s32 $_size__tile_overlayer_lowered;
	s6 =	simm.s32 $_tile_overlayer_lowered  }
0x9b: {  	s22 =	simm.s32 $0x1BFF;
	s21 =	sshll.u32 s6, $0x1;
	s3 =	sadd.s32 s4, s19  }
0x9c: {  	s7 =	simm.s32 $0x0;
	s20 =	sshll.u32 s5, $0x1;
	s5 =	sadd.s32 s21, s3  }
0x9d: {  	[timem:s7], [sflag:s22] =	dma.local [hbm:s5], s20  }
0x9e: {  	_ =	swait.ge [sflag:s22], s20  }
0x9f: {  	s4 =	ssub.s32 $0x0, s20;
	[sflag:s22] =	ssyncset.done $0x0  }
0xa0: {  	[sflag:s22] =	ssyncadd.s32 s4;
	_ =	sdelay $0x1  }
0xa1: {  	s23 =	simm.s32 $0x1B8B  }
0xa2: {  	_ =	swait.ge [sflag:s23], $0x1  }
0xa3: {  	[sflag:s23] =	ssyncset.done $0x0  }
0xa4: {  	s25 =	simm.s32 $0x1B8E;
	s24 =	sld [smem:$0x3FFE];
	[sflag:s23] =	ssyncadd.s32 $0xFFFFFFFF  }
0xa5: {  	s26 =	simm.s32 $execute0_lowered;
	[smem:$0x3FD2] =	sst s25  }
0xa6: {  	s5 =	sshll.u32 s26, $0x1;
	_ =	strace $0x80000046;
	[dreg:$0x1] =	wrdreg $0xFFFFFFFF  }
0xa7: {  	s28 =	simm.s32 $_size_execute0_lowered;
	s3 =	sadd.s32 s3, s5;
	[dreg:$0x0] =	wrdreg $0x0  }
0xa8: {  	s5 =	sshll.u32 s28, $0x1;
	[dreg:$0x2] =	wrdreg s3  }
0xa9: {  	[dreg:$0x3] =	wrdreg s5  }
0xaa: {  	[dreg:$0x4] =	wrdreg $0xC0  }
0xab: {  	_ =	task [dreg:s7], $0x5FFFF  }
0xac: {  	[dreg:$0x1] =	wrdreg $0xFFFFFFFF  }
0xad: {  	[dreg:$0x0] =	wrdreg $0x60  }
0xae: {  	[dreg:$0x2] =	wrdreg s2  }
0xaf: {  	[dreg:$0x3] =	wrdreg s24  }
0xb0: {  	[dreg:$0x4] =	wrdreg $0x9  }
0xb1: {  	_ =	task.clear_ibuf [dreg:s7], $0x5FFFF;
	_ =	strace $0x90000046  }
0xb2: {  	s29 =	simm.s32 $0x9;
	_ =	strace $0x80000048  }
0xb3: {  	_ =	swait.ge [sflag:s29], $0x1  }
0xb4: {  	[sflag:s29] =	ssyncadd.s32 $0xFFFFFFFF  }
0xb5: {  	_ =	strace $0x90000048  }
0xb6: {  	_ =	sfence  }
0xb7: {  	s30 =	sld [smem:$0x0];
	_ =	sdelay $0x2  }
0xb8: {  	s31 =	sshll.u32 s1, $0xD;
	s1 =	sshrl.u32 s1, $0x2  }
0xb9: {  	s3 =	sand.u32 $0x4000, s31;
	s1 =	sadd.s32 s1, s30  }
0xba: {  	s0 =	sor.u32 s3, s0;
	s1 =	sshll.u32 s1, $0x11  }
0xbb: {  	s0 =	sor.u32 s1, s0  }
0xbc: {  	s0 =	sadd.s32 $0x8F2B, s0  }
0xbd: {  	[sflag:s0] =	ssyncadd.remote.s32 $0x1  }
0xbe: {  	_ =	sfence.sel $0xFFFF  }
0xbf: {  	[dreg:$0x0] =	wrdreg $0xFFFFFFFF;
	(pc) =	sbr.abs _section_cstart, $3  }
0xc0: {  	[dreg:$0x1] =	wrdreg $0xFFFFFFFF  }
0xc1: {  	_ =	task.clear_ibuf [dreg:s7], $0x2FFFF;
	_ =	strace $0x9FFFFFFF  }
0xc2: {  	(tm) =	ssettm $0x7FFFFFFF  }
0xc3: {  	_ =	shalt  }
tec
execute0_lowered:
.L_overlay_start_1:
0x0: {  	(tag) =	ssettag $0x1  }
0x1: {  	s1 =	rddreg [dreg:$0x0]  }
0x2: {  	s4 =	rddreg [dreg:$0x1]  }
0x3: {  	s0 =	rddreg [dreg:$0x2];
	s5 =	srdreg.scid  }
0x4: {  	s3 =	simm.s32 $0x0;
	s2 =	stileid.u32;
	s9 =	simm.s32 $0x1  }
0x5: {  	s10 =	simm.s32 $0x5080;
	s11 =	simm.s32 $0x0;
	s5 =	sand.u32 $0x1, s5  }
0x6: {  	[smem:$0x7FF] =	sst s3;
	s7 =	sshll.u32 s2, $0x1;
	s6 =	ssub.s32 $0x2, s5  }
0x7: {  	s4 =	sadd.s32 $0x400, s4;
	_ =	strace $0x80000047;
	s8 =	sshrl.u32 s6, $0x1  }
0x8: {  	s5 =	sor.u32 s5, s7;
	s7 =	simm.s32 $0x80;
	s6 =	ssub.s32 s6, s8  }
0x9: {  	v0 =	vimm.f32 $0.0e+00;
	s5 =	smul.u32 $0x6, s5;
	s8 =	simm.s32 $0x400;
	s6 =	smax.u32 s6, $0x1  }
.LBB2_1:
0xa: {  	s12 =	simm.s32 $0x0  }
.LBB2_2:
0xb: {  	s14 =	sadd.s32 s5, s12  }
0xc: {  	s13 =	sshrl.u32 s14, $0x3  }
0xd: {  	s14 =	sshll.u32 s14, $0x7;
	s15 =	smul.u32 $0x28000, s13  }
0xe: {  	s14 =	sand.u32 $0x380, s14  }
0xf: {  	s15 =	sor.u32 s14, s15  }
0x10: {  	s15 =	sshrl.u32 s15, $0x3  }
0x11: {  	s16 =	sadd.s32 s1, s15;
	s15 =	simm.s32 $0x0  }
0x12: {  	[tilespmem:s15], [sflag:$0x1] =	stream.strided.gather [hbm4b:s16+s7], $0x5000, s8, s7, $0x38;
	[tilespmem:$0x5100] =	vst v63  }
0x13: {  	_ =	swait.ge [sflag:s9], $0x5000  }
0x14: {  	[sflag:s9] =	ssyncset.done $0x0  }
0x15: {  	v2 =	vimm.s32 $0xFFFFFFFF;
	v1 =	vimm.s32 $0x7F800000;
	[sflag:s9] =	ssyncadd.s32 $0xFFFFB000  }
.LBB2_3:
0x16: {  	s16 =	simm.s32 $0x0  }
0x17: {  	v4 =	vld [tilespmem:s16+$0x0];
	_ =	sdelay $0x1  }
0x18: {  	v5 =	vld [tilespmem:s16+$0x10]  }
0x19: {  	v3 =	vadd.s32 v2, v1  }
0x1a: {  	v3 =	vshra.s32 v3, $0x1;
	v6 =	vld [tilespmem:s16+$0x20]  }
0x1b: {  	vm0 =	vgt.s32 v4, v3  }
0x1c: {  	v8 =	vld [tilespmem:s16+$0x30];
	v4 =	vimm.f32 $0.0e+00;
	v7 =	vsel vm0, $0x3F800000, v0  }
0x1d: {  	vm0 =	vgt.s32 v5, v3;
	v4 =	vadd.f32 v7, v4  }
0x1e: {  	v5 =	vsel vm0, $0x3F800000, v0;
	v7 =	vld [tilespmem:s16+$0x40]  }
0x1f: {  	vm0 =	vgt.s32 v6, v3;
	v4 =	vadd.f32 v5, v4  }
0x20: {  	v6 =	vld [tilespmem:s16+$0x50];
	v5 =	vsel vm0, $0x3F800000, v0  }
0x21: {  	vm0 =	vgt.s32 v8, v3;
	v4 =	vadd.f32 v5, v4  }
0x22: {  	v8 =	vld [tilespmem:s16+$0x60];
	v5 =	vsel vm0, $0x3F800000, v0  }
0x23: {  	vm0 =	vgt.s32 v7, v3;
	v4 =	vadd.f32 v5, v4  }
0x24: {  	v7 =	vld [tilespmem:s16+$0x70];
	v5 =	vsel vm0, $0x3F800000, v0  }
0x25: {  	vm0 =	vgt.s32 v6, v3;
	v4 =	vadd.f32 v5, v4  }
0x26: {  	v6 =	vld [tilespmem:s16+$0x80];
	v5 =	vsel vm0, $0x3F800000, v0  }
0x27: {  	vm0 =	vgt.s32 v8, v3;
	v4 =	vadd.f32 v5, v4  }
0x28: {  	v8 =	vld [tilespmem:s16+$0x90];
	v5 =	vsel vm0, $0x3F800000, v0  }
0x29: {  	vm0 =	vgt.s32 v7, v3;
	v4 =	vadd.f32 v5, v4  }
0x2a: {  	v7 =	vld [tilespmem:s16+$0xA0];
	v5 =	vsel vm0, $0x3F800000, v0  }
0x2b: {  	vm0 =	vgt.s32 v6, v3;
	v4 =	vadd.f32 v5, v4  }
0x2c: {  	v6 =	vld [tilespmem:s16+$0xB0];
	v5 =	vsel vm0, $0x3F800000, v0  }
0x2d: {  	vm0 =	vgt.s32 v8, v3;
	v4 =	vadd.f32 v5, v4  }
0x2e: {  	v5 =	vsel vm0, $0x3F800000, v0  }
0x2f: {  	v8 =	vld [tilespmem:s16+$0xC0];
	vm0 =	vgt.s32 v7, v3;
	v4 =	vadd.f32 v5, v4  }
0x30: {  	v5 =	vsel vm0, $0x3F800000, v0  }
0x31: {  	v7 =	vld [tilespmem:s16+$0xD0];
	vm0 =	vgt.s32 v6, v3;
	v4 =	vadd.f32 v5, v4  }
0x32: {  	v5 =	vsel vm0, $0x3F800000, v0  }
0x33: {  	v6 =	vadd.f32 v5, v4;
	v5 =	vld [tilespmem:s16+$0xE0]  }
0x34: {  	vm0 =	vgt.s32 v8, v3  }
0x35: {  	v8 =	vsel vm0, $0x3F800000, v0;
	v4 =	vld [tilespmem:s16+$0xF0]  }
0x36: {  	s17 =	simm.s32 $0x800;
	vm0 =	vgt.s32 v7, v3;
	s16 =	simm.s32 $0x100;
	v6 =	vadd.f32 v8, v6  }
.LBB2_4:
0x37: {  	p0 =	sne.s32 s17, $0x13C00;
	v7 =	vld [tilespmem:s16+$0x0];
	v8 =	vsel vm0, $0x3F800000, v0  }
0x38: {  	v6 =	vadd.f32 v8, v6;
	vm0 =	vgt.s32 v5, v3  }
0x39: {  	v5 =	vld [tilespmem:s16+$0x10];
	v8 =	vsel vm0, $0x3F800000, v0  }
0x3a: {  	v6 =	vadd.f32 v8, v6;
	vm0 =	vgt.s32 v4, v3  }
0x3b: {  	v4 =	vld [tilespmem:s16+$0x20];
	v8 =	vsel vm0, $0x3F800000, v0  }
0x3c: {  	vm0 =	vgt.s32 v7, v3;
	v6 =	vadd.f32 v8, v6  }
0x3d: {  	v7 =	vsel vm0, $0x3F800000, v0;
	v8 =	vld [tilespmem:s16+$0x30]  }
0x3e: {  	v6 =	vadd.f32 v7, v6;
	vm0 =	vgt.s32 v5, v3  }
0x3f: {  	v5 =	vsel vm0, $0x3F800000, v0;
	v7 =	vld [tilespmem:s16+$0x40]  }
0x40: {  	v5 =	vadd.f32 v5, v6;
	vm0 =	vgt.s32 v4, v3  }
0x41: {  	v4 =	vsel vm0, $0x3F800000, v0;
	v6 =	vld [tilespmem:s16+$0x50]  }
0x42: {  	v4 =	vadd.f32 v4, v5;
	vm0 =	vgt.s32 v8, v3  }
0x43: {  	v5 =	vsel vm0, $0x3F800000, v0;
	v8 =	vld [tilespmem:s16+$0x60]  }
0x44: {  	v4 =	vadd.f32 v5, v4;
	vm0 =	vgt.s32 v7, v3  }
0x45: {  	v5 =	vsel vm0, $0x3F800000, v0;
	v7 =	vld [tilespmem:s16+$0x70]  }
0x46: {  	v4 =	vadd.f32 v5, v4;
	vm0 =	vgt.s32 v6, v3  }
0x47: {  	v5 =	vsel vm0, $0x3F800000, v0;
	v6 =	vld [tilespmem:s16+$0x80]  }
0x48: {  	v4 =	vadd.f32 v5, v4;
	vm0 =	vgt.s32 v8, v3  }
0x49: {  	v5 =	vsel vm0, $0x3F800000, v0;
	v8 =	vld [tilespmem:s16+$0x90]  }
0x4a: {  	v4 =	vadd.f32 v5, v4;
	vm0 =	vgt.s32 v7, v3  }
0x4b: {  	v5 =	vsel vm0, $0x3F800000, v0;
	v7 =	vld [tilespmem:s16+$0xA0]  }
0x4c: {  	v4 =	vadd.f32 v5, v4;
	vm0 =	vgt.s32 v6, v3  }
0x4d: {  	v5 =	vsel vm0, $0x3F800000, v0;
	v6 =	vld [tilespmem:s16+$0xB0]  }
0x4e: {  	v4 =	vadd.f32 v5, v4;
	vm0 =	vgt.s32 v8, v3  }
0x4f: {  	v5 =	vsel vm0, $0x3F800000, v0;
	v8 =	vld [tilespmem:s16+$0xC0]  }
0x50: {  	v4 =	vadd.f32 v5, v4;
	vm0 =	vgt.s32 v7, v3  }
0x51: {  	v5 =	vsel vm0, $0x3F800000, v0;
	v7 =	vld [tilespmem:s16+$0xD0]  }
.Ltmp0:
0x52: {  	v4 =	vadd.f32 v5, v4;
	vm0 =	vgt.s32 v6, v3;
	(pc) =	sbr.rel @p0 .LBB2_4-.Ltmp0, $4  }
0x53: {  	v6 =	vsel vm0, $0x3F800000, v0;
	v5 =	vld [tilespmem:s16+$0xE0]  }
0x54: {  	v6 =	vadd.f32 v6, v4;
	vm0 =	vgt.s32 v8, v3  }
0x55: {  	v8 =	vsel vm0, $0x3F800000, v0;
	v4 =	vld [tilespmem:s16+$0xF0]  }
0x56: {  	s16 =	sshra.s32 s17, $0x2;
	s17 =	sadd.s32 $0x400, s17;
	v6 =	vadd.f32 v8, v6;
	vm0 =	vgt.s32 v7, v3  }
0x57: {  	v7 =	vld [tilespmem:s16+$0x0];
	v8 =	vsel vm0, $0x3F800000, v0  }
0x58: {  	v6 =	vadd.f32 v8, v6;
	vm9 =	vgt.s32 v5, v3  }
0x59: {  	v19 =	vld [tilespmem:s16+$0x10];
	v20 =	vsel vm9, $0x3F800000, v0  }
0x5a: {  	v6 =	vadd.f32 v20, v6;
	vm10 =	vgt.s32 v4, v3  }
0x5b: {  	v21 =	vld [tilespmem:s16+$0x20];
	v22 =	vsel vm10, $0x3F800000, v0  }
0x5c: {  	vm11 =	vgt.s32 v7, v3;
	v6 =	vadd.f32 v22, v6  }
0x5d: {  	v23 =	vld [tilespmem:s16+$0x30];
	v7 =	vsel vm11, $0x3F800000, v0  }
0x5e: {  	vm12 =	vgt.s32 v19, v3;
	v6 =	vadd.f32 v7, v6  }
0x5f: {  	v24 =	vld [tilespmem:s16+$0x40];
	v5 =	vsel vm12, $0x3F800000, v0  }
0x60: {  	vm13 =	vgt.s32 v21, v3;
	v5 =	vadd.f32 v5, v6  }
0x61: {  	v25 =	vld [tilespmem:s16+$0x50];
	v4 =	vsel vm13, $0x3F800000, v0  }
0x62: {  	vm14 =	vgt.s32 v23, v3;
	v4 =	vadd.f32 v4, v5  }
0x63: {  	v27 =	vld [tilespmem:s16+$0x60];
	v26 =	vsel vm14, $0x3F800000, v0  }
0x64: {  	vm15 =	vgt.s32 v24, v3;
	v4 =	vadd.f32 v26, v4  }
0x65: {  	v29 =	vld [tilespmem:s16+$0x70];
	v28 =	vsel vm15, $0x3F800000, v0  }
0x66: {  	vm4 =	vgt.s32 v25, v3;
	v4 =	vadd.f32 v28, v4  }
0x67: {  	v31 =	vld [tilespmem:s16+$0x80];
	v30 =	vsel vm4, $0x3F800000, v0  }
0x68: {  	vm5 =	vgt.s32 v27, v3;
	v4 =	vadd.f32 v30, v4  }
0x69: {  	v33 =	vld [tilespmem:s16+$0x90];
	v32 =	vsel vm5, $0x3F800000, v0  }
0x6a: {  	vm6 =	vgt.s32 v29, v3;
	v4 =	vadd.f32 v32, v4  }
0x6b: {  	v35 =	vld [tilespmem:s16+$0xA0];
	v34 =	vsel vm6, $0x3F800000, v0  }
0x6c: {  	vm7 =	vgt.s32 v31, v3;
	v4 =	vadd.f32 v34, v4  }
0x6d: {  	v37 =	vld [tilespmem:s16+$0xB0];
	v36 =	vsel vm7, $0x3F800000, v0  }
0x6e: {  	vm8 =	vgt.s32 v33, v3;
	v4 =	vadd.f32 v36, v4  }
0x6f: {  	v39 =	vld [tilespmem:s16+$0xC0];
	v38 =	vsel vm8, $0x3F800000, v0  }
0x70: {  	vm9 =	vgt.s32 v35, v3;
	v4 =	vadd.f32 v38, v4  }
0x71: {  	v41 =	vld [tilespmem:s16+$0xD0];
	v40 =	vsel vm9, $0x3F800000, v0  }
0x72: {  	vm10 =	vgt.s32 v37, v3;
	v4 =	vadd.f32 v40, v4  }
0x73: {  	v43 =	vld [tilespmem:s16+$0xE0];
	v42 =	vsel vm10, $0x3F800000, v0  }
0x74: {  	vm11 =	vgt.s32 v39, v3;
	v4 =	vadd.f32 v42, v4  }
0x75: {  	v45 =	vld [tilespmem:s16+$0xF0];
	v44 =	vsel vm11, $0x3F800000, v0  }
0x76: {  	vm12 =	vgt.s32 v41, v3;
	v4 =	vadd.f32 v44, v4  }
0x77: {  	v46 =	vsel vm12, $0x3F800000, v0  }
0x78: {  	vm13 =	vgt.s32 v43, v3;
	v4 =	vadd.f32 v46, v4  }
0x79: {  	v47 =	vsel vm13, $0x3F800000, v0  }
0x7a: {  	vm14 =	vgt.s32 v45, v3;
	v4 =	vadd.f32 v47, v4  }
0x7b: {  	v48 =	vsel vm14, $0x3F800000, v0  }
0x7c: {  	v4 =	vadd.f32 v48, v4;
	_ =	sdelay $0x1  }
0x7d: {  	[tilespmem:$0x5000] =	vst v4  }
0x7e: {  	[tilespmem:$0x5010] =	vst v4  }
0x7f: {  	v49 =	vld [tilespmem:$0x5001];
	_ =	sdelay $0x1  }
0x80: {  	v50 =	vld [tilespmem:$0x5002];
	_ =	sdelay $0x1  }
0x81: {  	v51 =	vld [tilespmem:$0x5003]  }
0x82: {  	v4 =	vadd.f32 v49, v4  }
0x83: {  	v52 =	vld [tilespmem:$0x5004]  }
0x84: {  	v4 =	vadd.f32 v50, v4  }
0x85: {  	v53 =	vld [tilespmem:$0x5005]  }
0x86: {  	v4 =	vadd.f32 v51, v4  }
0x87: {  	v54 =	vld [tilespmem:$0x5006]  }
0x88: {  	v4 =	vadd.f32 v52, v4  }
0x89: {  	v55 =	vld [tilespmem:$0x5007]  }
0x8a: {  	v4 =	vadd.f32 v53, v4  }
0x8b: {  	v56 =	vld [tilespmem:$0x5008]  }
0x8c: {  	v4 =	vadd.f32 v54, v4  }
0x8d: {  	v57 =	vld [tilespmem:$0x5009]  }
0x8e: {  	v4 =	vadd.f32 v55, v4  }
0x8f: {  	v58 =	vld [tilespmem:$0x500A]  }
0x90: {  	v4 =	vadd.f32 v56, v4  }
0x91: {  	v59 =	vld [tilespmem:$0x500B]  }
0x92: {  	v4 =	vadd.f32 v57, v4  }
0x93: {  	v60 =	vld [tilespmem:$0x500C]  }
0x94: {  	v4 =	vadd.f32 v58, v4  }
0x95: {  	v61 =	vld [tilespmem:$0x500D]  }
0x96: {  	v4 =	vadd.f32 v59, v4  }
0x97: {  	v62 =	vld [tilespmem:$0x500E]  }
0x98: {  	v4 =	vadd.f32 v60, v4  }
0x99: {  	v63 =	vld [tilespmem:$0x500F]  }
0x9a: {  	v4 =	vadd.f32 v61, v4  }
0x9b: {  	s15 =	sadd.s32 $0x1, s15  }
0x9c: {  	p0 =	sne.s32 s15, $0x1F;
	v4 =	vadd.f32 v62, v4  }
.Ltmp1:
0x9d: {  	_ = 	snop;
	(pc) =	sbr.rel @p0 .LBB2_3-.Ltmp1, $3  }
0x9e: {  	v4 =	vadd.f32 v63, v4;
	_ =	sdelay $0x1  }
0x9f: {  	vm15 =	vlt.f32 v4, $5.000000000e+02  }
0xa0: {  	v1 =	vsel vm15, v3, v1;
	v2 =	vsel vm15, v2, v3  }
0xa1: {  	s15 =	simm.s32 $0x0  }
0xa2: {  	v2 =	vld [tilespmem:s15+$0x0];
	_ =	sdelay $0x1  }
0xa3: {  	v3 =	vld [tilespmem:s15+$0x10];
	_ =	sdelay $0x1  }
0xa4: {  	v4 =	vld [tilespmem:s15+$0x20]  }
0xa5: {  	vm0 =	vgt.s32 v2, v1  }
0xa6: {  	v6 =	vld [tilespmem:s15+$0x30];
	v2 =	vimm.f32 $0.0e+00;
	v5 =	vsel vm0, $0x3F800000, v0  }
0xa7: {  	vm0 =	vgt.s32 v3, v1;
	v2 =	vadd.f32 v5, v2  }
0xa8: {  	v3 =	vsel vm0, $0x3F800000, v0;
	v5 =	vld [tilespmem:s15+$0x40]  }
0xa9: {  	vm0 =	vgt.s32 v4, v1;
	v2 =	vadd.f32 v3, v2  }
0xaa: {  	v4 =	vld [tilespmem:s15+$0x50];
	v3 =	vsel vm0, $0x3F800000, v0  }
0xab: {  	vm0 =	vgt.s32 v6, v1;
	v2 =	vadd.f32 v3, v2  }
0xac: {  	v6 =	vld [tilespmem:s15+$0x60];
	v3 =	vsel vm0, $0x3F800000, v0  }
0xad: {  	vm0 =	vgt.s32 v5, v1;
	v2 =	vadd.f32 v3, v2  }
0xae: {  	v5 =	vld [tilespmem:s15+$0x70];
	v3 =	vsel vm0, $0x3F800000, v0  }
0xaf: {  	vm0 =	vgt.s32 v4, v1;
	v2 =	vadd.f32 v3, v2  }
0xb0: {  	v4 =	vld [tilespmem:s15+$0x80];
	v3 =	vsel vm0, $0x3F800000, v0  }
0xb1: {  	vm0 =	vgt.s32 v6, v1;
	v2 =	vadd.f32 v3, v2  }
0xb2: {  	v6 =	vld [tilespmem:s15+$0x90];
	v3 =	vsel vm0, $0x3F800000, v0  }
0xb3: {  	vm0 =	vgt.s32 v5, v1;
	v2 =	vadd.f32 v3, v2  }
0xb4: {  	v5 =	vld [tilespmem:s15+$0xA0];
	v3 =	vsel vm0, $0x3F800000, v0  }
0xb5: {  	vm0 =	vgt.s32 v4, v1;
	v2 =	vadd.f32 v3, v2  }
0xb6: {  	v4 =	vld [tilespmem:s15+$0xB0];
	v3 =	vsel vm0, $0x3F800000, v0  }
0xb7: {  	vm0 =	vgt.s32 v6, v1;
	v2 =	vadd.f32 v3, v2  }
0xb8: {  	v3 =	vsel vm0, $0x3F800000, v0  }
0xb9: {  	v6 =	vld [tilespmem:s15+$0xC0];
	vm0 =	vgt.s32 v5, v1;
	v2 =	vadd.f32 v3, v2  }
0xba: {  	v3 =	vsel vm0, $0x3F800000, v0  }
0xbb: {  	v5 =	vld [tilespmem:s15+$0xD0];
	vm0 =	vgt.s32 v4, v1;
	v2 =	vadd.f32 v3, v2  }
0xbc: {  	v3 =	vsel vm0, $0x3F800000, v0  }
0xbd: {  	v4 =	vadd.f32 v3, v2;
	v3 =	vld [tilespmem:s15+$0xE0]  }
0xbe: {  	vm0 =	vgt.s32 v6, v1  }
0xbf: {  	v6 =	vsel vm0, $0x3F800000, v0;
	v2 =	vld [tilespmem:s15+$0xF0]  }
0xc0: {  	s16 =	simm.s32 $0x800;
	vm0 =	vgt.s32 v5, v1;
	s15 =	simm.s32 $0x100;
	v4 =	vadd.f32 v6, v4  }
.LBB2_7:
0xc1: {  	p0 =	sne.s32 s16, $0x13C00;
	v5 =	vld [tilespmem:s15+$0x0];
	v6 =	vsel vm0, $0x3F800000, v0  }
0xc2: {  	v4 =	vadd.f32 v6, v4;
	vm0 =	vgt.s32 v3, v1  }
0xc3: {  	v3 =	vld [tilespmem:s15+$0x10];
	v6 =	vsel vm0, $0x3F800000, v0  }
0xc4: {  	v4 =	vadd.f32 v6, v4;
	vm0 =	vgt.s32 v2, v1  }
0xc5: {  	v2 =	vld [tilespmem:s15+$0x20];
	v6 =	vsel vm0, $0x3F800000, v0  }
0xc6: {  	vm0 =	vgt.s32 v5, v1;
	v4 =	vadd.f32 v6, v4  }
0xc7: {  	v5 =	vsel vm0, $0x3F800000, v0;
	v6 =	vld [tilespmem:s15+$0x30]  }
0xc8: {  	v4 =	vadd.f32 v5, v4;
	vm0 =	vgt.s32 v3, v1  }
0xc9: {  	v3 =	vsel vm0, $0x3F800000, v0;
	v5 =	vld [tilespmem:s15+$0x40]  }
0xca: {  	v3 =	vadd.f32 v3, v4;
	vm0 =	vgt.s32 v2, v1  }
0xcb: {  	v2 =	vsel vm0, $0x3F800000, v0;
	v4 =	vld [tilespmem:s15+$0x50]  }
0xcc: {  	v2 =	vadd.f32 v2, v3;
	vm0 =	vgt.s32 v6, v1  }
0xcd: {  	v3 =	vsel vm0, $0x3F800000, v0;
	v6 =	vld [tilespmem:s15+$0x60]  }
0xce: {  	v2 =	vadd.f32 v3, v2;
	vm0 =	vgt.s32 v5, v1  }
0xcf: {  	v3 =	vsel vm0, $0x3F800000, v0;
	v5 =	vld [tilespmem:s15+$0x70]  }
0xd0: {  	v2 =	vadd.f32 v3, v2;
	vm0 =	vgt.s32 v4, v1  }
0xd1: {  	v3 =	vsel vm0, $0x3F800000, v0;
	v4 =	vld [tilespmem:s15+$0x80]  }
0xd2: {  	v2 =	vadd.f32 v3, v2;
	vm0 =	vgt.s32 v6, v1  }
0xd3: {  	v3 =	vsel vm0, $0x3F800000, v0;
	v6 =	vld [tilespmem:s15+$0x90]  }
0xd4: {  	v2 =	vadd.f32 v3, v2;
	vm0 =	vgt.s32 v5, v1  }
0xd5: {  	v3 =	vsel vm0, $0x3F800000, v0;
	v5 =	vld [tilespmem:s15+$0xA0]  }
0xd6: {  	v2 =	vadd.f32 v3, v2;
	vm0 =	vgt.s32 v4, v1  }
0xd7: {  	v3 =	vsel vm0, $0x3F800000, v0;
	v4 =	vld [tilespmem:s15+$0xB0]  }
0xd8: {  	v2 =	vadd.f32 v3, v2;
	vm0 =	vgt.s32 v6, v1  }
0xd9: {  	v3 =	vsel vm0, $0x3F800000, v0;
	v6 =	vld [tilespmem:s15+$0xC0]  }
0xda: {  	v2 =	vadd.f32 v3, v2;
	vm0 =	vgt.s32 v5, v1  }
0xdb: {  	v3 =	vsel vm0, $0x3F800000, v0;
	v5 =	vld [tilespmem:s15+$0xD0]  }
.Ltmp2:
0xdc: {  	v2 =	vadd.f32 v3, v2;
	vm0 =	vgt.s32 v4, v1;
	(pc) =	sbr.rel @p0 .LBB2_7-.Ltmp2, $4  }
0xdd: {  	v4 =	vsel vm0, $0x3F800000, v0;
	v3 =	vld [tilespmem:s15+$0xE0]  }
0xde: {  	v4 =	vadd.f32 v4, v2;
	vm0 =	vgt.s32 v6, v1  }
0xdf: {  	v6 =	vsel vm0, $0x3F800000, v0;
	v2 =	vld [tilespmem:s15+$0xF0]  }
0xe0: {  	s15 =	sshra.s32 s16, $0x2;
	s16 =	sadd.s32 $0x400, s16;
	v4 =	vadd.f32 v6, v4;
	vm0 =	vgt.s32 v5, v1  }
0xe1: {  	v5 =	vld [tilespmem:s15+$0x0];
	v6 =	vsel vm0, $0x3F800000, v0  }
0xe2: {  	v4 =	vadd.f32 v6, v4;
	vm10 =	vgt.s32 v3, v1  }
0xe3: {  	v3 =	vld [tilespmem:s15+$0x10];
	v39 =	vsel vm10, $0x3F800000, v0  }
0xe4: {  	v4 =	vadd.f32 v39, v4;
	vm11 =	vgt.s32 v2, v1  }
0xe5: {  	v2 =	vld [tilespmem:s15+$0x20];
	v40 =	vsel vm11, $0x3F800000, v0  }
0xe6: {  	vm12 =	vgt.s32 v5, v1;
	v4 =	vadd.f32 v40, v4  }
0xe7: {  	v41 =	vld [tilespmem:s15+$0x30];
	v5 =	vsel vm12, $0x3F800000, v0  }
0xe8: {  	vm13 =	vgt.s32 v3, v1;
	v4 =	vadd.f32 v5, v4  }
0xe9: {  	v42 =	vld [tilespmem:s15+$0x40];
	v3 =	vsel vm13, $0x3F800000, v0  }
0xea: {  	vm14 =	vgt.s32 v2, v1;
	v3 =	vadd.f32 v3, v4  }
0xeb: {  	v43 =	vld [tilespmem:s15+$0x50];
	v2 =	vsel vm14, $0x3F800000, v0  }
0xec: {  	vm15 =	vgt.s32 v41, v1;
	v2 =	vadd.f32 v2, v3  }
0xed: {  	v44 =	vld [tilespmem:s15+$0x60];
	v3 =	vsel vm15, $0x3F800000, v0  }
0xee: {  	vm4 =	vgt.s32 v42, v1;
	v2 =	vadd.f32 v3, v2  }
0xef: {  	v45 =	vld [tilespmem:s15+$0x70];
	v3 =	vsel vm4, $0x3F800000, v0  }
0xf0: {  	vm5 =	vgt.s32 v43, v1;
	v2 =	vadd.f32 v3, v2  }
0xf1: {  	v46 =	vld [tilespmem:s15+$0x80];
	v3 =	vsel vm5, $0x3F800000, v0  }
0xf2: {  	vm6 =	vgt.s32 v44, v1;
	v2 =	vadd.f32 v3, v2  }
0xf3: {  	v47 =	vld [tilespmem:s15+$0x90];
	v3 =	vsel vm6, $0x3F800000, v0  }
0xf4: {  	vm7 =	vgt.s32 v45, v1;
	v2 =	vadd.f32 v3, v2  }
0xf5: {  	v48 =	vld [tilespmem:s15+$0xA0];
	v3 =	vsel vm7, $0x3F800000, v0  }
0xf6: {  	vm8 =	vgt.s32 v46, v1;
	v2 =	vadd.f32 v3, v2  }
0xf7: {  	v49 =	vld [tilespmem:s15+$0xB0];
	v3 =	vsel vm8, $0x3F800000, v0  }
0xf8: {  	vm9 =	vgt.s32 v47, v1;
	v2 =	vadd.f32 v3, v2  }
0xf9: {  	v50 =	vld [tilespmem:s15+$0xC0];
	v3 =	vsel vm9, $0x3F800000, v0  }
0xfa: {  	vm10 =	vgt.s32 v48, v1;
	v2 =	vadd.f32 v3, v2  }
0xfb: {  	v51 =	vld [tilespmem:s15+$0xD0];
	v3 =	vsel vm10, $0x3F800000, v0  }
0xfc: {  	vm11 =	vgt.s32 v49, v1;
	v2 =	vadd.f32 v3, v2  }
0xfd: {  	v52 =	vld [tilespmem:s15+$0xE0];
	v3 =	vsel vm11, $0x3F800000, v0  }
0xfe: {  	vm12 =	vgt.s32 v50, v1;
	v2 =	vadd.f32 v3, v2  }
0xff: {  	v53 =	vld [tilespmem:s15+$0xF0];
	v3 =	vsel vm12, $0x3F800000, v0  }
0x100: {  	vm13 =	vgt.s32 v51, v1;
	v2 =	vadd.f32 v3, v2  }
0x101: {  	v3 =	vsel vm13, $0x3F800000, v0  }
0x102: {  	vm14 =	vgt.s32 v52, v1;
	v2 =	vadd.f32 v3, v2  }
0x103: {  	v3 =	vsel vm14, $0x3F800000, v0  }
0x104: {  	vm15 =	vgt.s32 v53, v1;
	v2 =	vadd.f32 v3, v2  }
0x105: {  	v3 =	vsel vm15, $0x3F800000, v0  }
0x106: {  	v2 =	vadd.f32 v3, v2;
	_ =	sdelay $0x1  }
0x107: {  	[tilespmem:$0x5000] =	vst v2  }
0x108: {  	[tilespmem:$0x5010] =	vst v2  }
0x109: {  	v3 =	vld [tilespmem:$0x5001];
	_ =	sdelay $0x1  }
0x10a: {  	v54 =	vld [tilespmem:$0x5002];
	_ =	sdelay $0x1  }
0x10b: {  	v55 =	vld [tilespmem:$0x5003]  }
0x10c: {  	v2 =	vadd.f32 v3, v2  }
0x10d: {  	v3 =	vld [tilespmem:$0x5004]  }
0x10e: {  	v2 =	vadd.f32 v54, v2  }
0x10f: {  	v56 =	vld [tilespmem:$0x5005]  }
0x110: {  	v2 =	vadd.f32 v55, v2  }
0x111: {  	v57 =	vld [tilespmem:$0x5006]  }
0x112: {  	v2 =	vadd.f32 v3, v2  }
0x113: {  	v3 =	vld [tilespmem:$0x5007]  }
0x114: {  	v2 =	vadd.f32 v56, v2  }
0x115: {  	v58 =	vld [tilespmem:$0x5008]  }
0x116: {  	v2 =	vadd.f32 v57, v2  }
0x117: {  	v59 =	vld [tilespmem:$0x5009]  }
0x118: {  	v2 =	vadd.f32 v3, v2  }
0x119: {  	v3 =	vld [tilespmem:$0x500A]  }
0x11a: {  	v2 =	vadd.f32 v58, v2  }
0x11b: {  	v60 =	vld [tilespmem:$0x500B]  }
0x11c: {  	v2 =	vadd.f32 v59, v2  }
0x11d: {  	v61 =	vld [tilespmem:$0x500C]  }
0x11e: {  	v2 =	vadd.f32 v3, v2  }
0x11f: {  	v3 =	vld [tilespmem:$0x500D]  }
0x120: {  	v2 =	vadd.f32 v60, v2  }
0x121: {  	v62 =	vld [tilespmem:$0x500E]  }
0x122: {  	v2 =	vadd.f32 v61, v2  }
0x123: {  	v63 =	vld [tilespmem:$0x500F]  }
0x124: {  	v2 =	vadd.f32 v3, v2;
	_ =	sdelay $0x1  }
0x125: {  	v2 =	vadd.f32 v62, v2  }
0x126: {  	s13 =	sshll.u32 s13, $0xA  }
0x127: {  	s12 =	sadd.s32 $0x1, s12;
	s13 =	sor.u32 s14, s13;
	v2 =	vadd.f32 v63, v2  }
0x128: {  	p0 =	sne.s32 s12, $0x6;
	s13 =	sshrl.u32 s13, $0x3;
	[tilespmem:$0x5080] =	vst v1  }
.Ltmp3:
0x129: {  	s13 =	sadd.s32 s4, s13;
	[tilespmem:$0x5090] =	vst v2;
	(pc) =	sbr.rel @p0 .LBB2_2-.Ltmp3, $4  }
0x12a: {  	[hbm4b:s13+s3] =	stream.linear.scatter [tilespmem:s10], [sflag:$0x1], $0x80, $0x38;
	[tilespmem:$0x5100] =	vst v63  }
0x12b: {  	_ =	swait.ge [sflag:s9], $0x80  }
0x12c: {  	[sflag:s9] =	ssyncset.done $0x0  }
0x12d: {  	[sflag:s9] =	ssyncadd.s32 $0xFFFFFF80  }
0x12e: {  	s11 =	sadd.s32 $0x1, s11  }
0x12f: {  	p0 =	sne.s32 s11, s6  }
.Ltmp4:
0x130: {  	_ = 	snop;
	(pc) =	sbr.rel @p0 .LBB2_1-.Ltmp4, $1  }
0x131: {  	_ =	sdelay $0x3  }
0x132: {  	_ =	sfence.sel $0x180000  }
0x133: {  	[bflag:$0x0] =	sbarrier.arrive $0xFFFF  }
0x134: {  	p0 =	sne.s32 s2, $0x0;
	_ =	strace $0x90000047  }
0x135: {  	s0 =	sadd.s32 @!p0 $0x100000, s0;
	[bflag:$0x2] =	sbarrier.arrive $0xFFFF  }
0x136: {  	[sflag:s0] =	ssyncadd.tile.s32 @!p0 $0x1;
	_ =	shalt  }
.Lfunc_end2:
_tile_overlayer_lowered:
.L_overlay_start_2:
0x137: {  	(tag) =	ssettag $0x2  }
0x138: {  	s0 =	rddreg [dreg:$0x0];
	s2 =	stileid.u32  }
0x139: {  	s1 =	rddreg [dreg:$0x1];
	p0 =	sne.s32 s2, $0x0  }
0x13a: {  	s3 =	rddreg [dreg:$0x2];
	[bflag:$0x3] =	sbarrier.arrive $0xFFFF;
	s2 =	simm.s32 @!p0 $0x1C01  }
0x13b: {  	[timem:s3], [sflag:s2] =	dma.local @!p0 [hbm:s0], s1  }
0x13c: {  	s0 =	simm.s32 @!p0 $0x1  }
0x13d: {  	_ =	swait.ge @!p0 [sflag:s0], s1  }
0x13e: {  	s1 =	ssub.s32 @!p0 $0x0, s1;
	[sflag:s0] =	ssyncset.done @!p0 $0x0  }
0x13f: {  	[sflag:s0] =	ssyncadd.s32 @!p0 s1  }
0x140: {  	[bflag:$0x3] =	sbarrier.arrive $0xFFFF  }
0x141: {  	_ =	shalt  }

</sc_bundles>
